<compile_context>
chip_gen: v7x
topology: tpu7x:2x2x1
jax: 0.10.2.dev20260603
libtpu: 0.0.44.dev20260713+nightly
codegen_flags: <defaults>
</compile_context>

<pallas_src>
import functools

import jax
import jax.numpy as jnp
from jax import lax
from jax.experimental import pallas as pl
from jax.experimental.pallas import tpu as pltpu
from jax.experimental.pallas import tpu_sc as plsc

PAD = 0
B, H, D = 4096, 200, 32
BH = B * H
HD = H * D


HPAD = 256
RPC = 8


def _sc_gather(idx_p, table):
    info = plsc.get_sparse_core_info()
    nw = info.num_cores * info.num_subcores
    rows_per_w = B // nw
    n_ch = rows_per_w // RPC
    ch = RPC * H
    mesh = plsc.VectorSubcoreMesh(core_axis_name="c", subcore_axis_name="s")

    @functools.partial(
        pl.kernel,
        mesh=mesh,
        out_type=jax.ShapeDtypeStruct((BH, D), jnp.float32),
        scratch_types=[
            pltpu.VMEM((RPC * HPAD,), jnp.int32),
            pltpu.VMEM((ch, D), jnp.float32),
            pltpu.SemaphoreType.DMA,
            pltpu.SemaphoreType.DMA,
        ],
        compiler_params=pltpu.CompilerParams(use_tc_tiling_on_sc=False),
    )
    def k(idx_hbm, table_hbm, out_hbm, idx_v, rows_v, sem_i, sem_g):
        wid = lax.axis_index("s") * info.num_cores + lax.axis_index("c")
        base = wid * rows_per_w

        def body(c, carry):
            row0 = base + c * RPC
            cps = [
                pltpu.async_copy(idx_hbm.at[row0 + i, pl.ds(0, HPAD)],
                                 idx_v.at[pl.ds(i * HPAD, HPAD)], sem_i)
                for i in range(RPC)
            ]
            for cp in cps:
                cp.wait()
            cps = [
                pltpu.async_copy(table_hbm.at[idx_v.at[pl.ds(i * HPAD, H)]],
                                 rows_v.at[pl.ds(i * H, H)], sem_g)
                for i in range(RPC)
            ]
            for cp in cps:
                cp.wait()
            pltpu.sync_copy(rows_v, out_hbm.at[pl.ds(row0 * H, ch)])
            return carry

        lax.fori_loop(0, n_ch, body, 0)

    return k(idx_p, table)


def _tc_compute(idx, e2, w_sel, e_exp, r_sel):
    bc = 128
    grid = (B // bc,)

    def body(idx_ref, e_ref, ws_ref, ee_ref, r_ref, out_ref):
        idxb = idx_ref[...]
        e = e_ref[...]
        eb = e.astype(jnp.bfloat16)
        scores = jnp.dot(eb, ws_ref[...], preferred_element_type=jnp.float32)
        valid = idxb != PAD
        has_real = jnp.any(valid, axis=1, keepdims=True)
        col = lax.broadcasted_iota(jnp.int32, (bc, H), 1)
        valid = valid | ((col == 0) & jnp.logical_not(has_real))
        scores = jnp.where(valid, scores, -jnp.inf)
        m = jnp.max(scores, axis=1, keepdims=True)
        p = jnp.exp(scores - m)
        z = jnp.sum(p, axis=1, keepdims=True)
        attn = p / z
        af = jnp.dot(attn.astype(jnp.bfloat16), ee_ref[...],
                     preferred_element_type=jnp.float32)
        out_ref[...] = jnp.dot((af * e).astype(jnp.bfloat16), r_ref[...],
                               preferred_element_type=jnp.float32)

    return pl.pallas_call(
        body,
        grid=grid,
        in_specs=[
            pl.BlockSpec((bc, H), lambda i: (i, 0)),
            pl.BlockSpec((bc, HD), lambda i: (i, 0)),
            pl.BlockSpec((HD, H), lambda i: (0, 0)),
            pl.BlockSpec((H, HD), lambda i: (0, 0)),
            pl.BlockSpec((HD, D), lambda i: (0, 0)),
        ],
        out_specs=pl.BlockSpec((bc, D), lambda i: (i, 0)),
        out_shape=jax.ShapeDtypeStruct((B, D), jnp.float32),
    )(idx, e2, w_sel, e_exp, r_sel)


def _weight_mats(w):
    flat = jnp.arange(HD, dtype=jnp.int32)
    item = flat // D
    dim = flat % D
    items = jnp.arange(H, dtype=jnp.int32)
    dims = jnp.arange(D, dtype=jnp.int32)
    wt = jnp.tile(w, H)
    w_sel = jnp.where(item[:, None] == items[None, :], wt[:, None],
                      0.0).astype(jnp.bfloat16)
    e_exp = (items[:, None] == item[None, :]).astype(jnp.bfloat16)
    r_sel = (dim[:, None] == dims[None, :]).astype(jnp.bfloat16)
    return w_sel, e_exp, r_sel


def kernel(idx_tensor, table, attn_weight, attn_bias):
    del attn_bias
    idx_p = jnp.pad(idx_tensor, ((0, 0), (0, HPAD - H)))
    embs = _sc_gather(idx_p, table)
    e2 = embs.reshape(B, HD)
    w_sel, e_exp, r_sel = _weight_mats(attn_weight.reshape(D))
    return _tc_compute(idx_tensor, e2, w_sel, e_exp, r_sel)

# --- scband reference (transcript-rebuilt; emitter-appended) ---
"""Pipeline reference for scband-scalar-attention-strategy-38250978738512 (READ-ONLY COPY).

The authoritative reference and input builder live on the scoring server;
editing this copy changes nothing except your own understanding.
"""

import jax, jax.numpy as jnp
import numpy as np

PAD_IDX = 0
VOCAB = 1000000
EMBED_DIM = 32
BATCH = 4096
HIST = 200

def setup_inputs(seed: int = 0) -> dict:
    key = jax.random.key(seed)
    k1, k2, k3, k4 = jax.random.split(key, 4)
    idx_tensor = jax.random.randint(k1, (BATCH, HIST), 0, VOCAB, dtype=jnp.int64 if jax.config.read('jax_enable_x64') else jnp.int32).astype(jnp.int32)
    table = jax.random.normal(k2, (VOCAB, EMBED_DIM), dtype=jnp.float32) * 0.02
    table = table.at[PAD_IDX].set(0.0)  # padding_idx embedding is zero
    attn_weight = jax.random.normal(k3, (1, EMBED_DIM), dtype=jnp.float32) * 0.1
    attn_bias = jax.random.normal(k4, (1,), dtype=jnp.float32) * 0.1
    return {"idx_tensor": idx_tensor, "table": table, "attn_weight": attn_weight, "attn_bias": attn_bias}

def reference(idx_tensor, table, attn_weight, attn_bias):
    # prepare_inputs: mask from PAD_IDX, force at least one valid slot per row
    mask = idx_tensor != PAD_IDX
    has_real = jnp.any(mask, axis=1)
    mask = mask.at[:, 0].set(jnp.where(has_real, mask[:, 0], True))
    # embedding gather
    embs = jnp.take(table, idx_tensor, axis=0)  # [B, L, D]
    # scalar attention scores
    scores = embs @ attn_weight.T + attn_bias  # [B, L, 1]
    scores = jnp.squeeze(scores, -1)
    scores = jnp.where(mask, scores, -jnp.inf)
    attn = jax.nn.softmax(scores, axis=-1)[..., None]  # [B, L, 1]
    pooled = jnp.sum(attn * embs, axis=1)  # [B, D]
    return jnp.nan_to_num(pooled, nan=0.0, posinf=0.0, neginf=0.0)

if __name__ == "__main__":
    import jax
    _d = setup_inputs()
    print(jax.jit(kernel)(*tuple(_d.values())))

</pallas_src>

<mosaic_0001>
#map = affine_map<(d0, d1) -> (0, 0)>
module attributes {stable_mosaic.version = 14 : i64} {
  func.func @k(%arg0: i32, %arg1: i32, %arg2: memref<4096x256xi32, #tpu.memory_space<hbm>>, %arg3: memref<1000000x32xf32, #tpu.memory_space<hbm>>, %arg4: memref<819200x32xf32, #tpu.memory_space<hbm>>, %arg5: memref<2048xi32, #tpu.memory_space<vmem>>, %arg6: memref<1600x32xf32, #tpu.memory_space<vmem>>, %arg7: memref<!tpu.dma_semaphore, #tpu.memory_space<semaphore_mem>>, %arg8: memref<!tpu.dma_semaphore, #tpu.memory_space<semaphore_mem>>) attributes {dimension_semantics = [#tpu.dimension_semantics<core_parallel>, #tpu.dimension_semantics<subcore_parallel>], iteration_bounds = array<i64: 2, 16>, scalar_prefetch = 0 : i64, scratch_operands = 4 : i64, tpu.core_type = #tpu.core_type<sc_vector_subcore>, window_params = [{transform_indices = #map}, {transform_indices = #map}, {transform_indices = #map}]} {
    %mul3A = arith.constant 2 : i32
    %mul3A_0 = arith.muli %arg1, %mul3A : i32
    %add3A = arith.addi %mul3A_0, %arg0 : i32
    %mul3A_1 = arith.constant 128 : i32
    %mul3A_2 = arith.muli %add3A, %mul3A_1 : i32
    %scan3A = arith.constant 0 : i32
    %scan3A_3 = arith.constant 0 : i32
    %scan3A_4 = arith.constant 16 : i32
    %scan3A_5 = arith.addi %scan3A_3, %scan3A_4 : i32
    %scan3A_6 = arith.constant 1 : i32
    scf.for %scan3A_8 = %scan3A_3 to %scan3A_5 step %scan3A_6  : i32 {
      %mul3A_9 = arith.constant 8 : i32
      %mul3A_10 = arith.muli %scan3A_8, %mul3A_9 : i32
      %add3A_11 = arith.addi %mul3A_2, %mul3A_10 : i32
      %add3A_12 = arith.constant 0 : i32
      %add3A_13 = arith.addi %add3A_11, %add3A_12 : i32
      %dma_start3A = arith.constant 0 : i32
      %dma_start3A_14 = tpu.memref_slice %arg5[%dma_start3A] : memref<2048xi32, #tpu.memory_space<vmem>> -> memref<256xi32, #tpu.memory_space<vmem>>
      %dma_start3A_15 = arith.constant 0 : i32
      %dma_start3A_16 = tpu.memref_slice %arg2[%add3A_13, %dma_start3A_15] : memref<4096x256xi32, #tpu.memory_space<hbm>> -> memref<1x256xi32, #tpu.memory_space<hbm>>
      %dma_start3A_17 = tpu.memref_squeeze %dma_start3A_16 : memref<1x256xi32, #tpu.memory_space<hbm>> -> memref<256xi32, #tpu.memory_space<hbm>>
      %dma_start3A_18 = arith.constant 0 : i32
      %dma_start3A_19 = tpu.memref_slice %arg5[%dma_start3A_18] : memref<2048xi32, #tpu.memory_space<vmem>> -> memref<256xi32, #tpu.memory_space<vmem>>
      %dma_start3A_20 = arith.constant 0 : i32
      %dma_start3A_21 = tpu.memref_slice %arg2[%add3A_13, %dma_start3A_20] : memref<4096x256xi32, #tpu.memory_space<hbm>> -> memref<1x256xi32, #tpu.memory_space<hbm>>
      %dma_start3A_22 = tpu.memref_squeeze %dma_start3A_21 : memref<1x256xi32, #tpu.memory_space<hbm>> -> memref<256xi32, #tpu.memory_space<hbm>>
      tpu.enqueue_dma source(%dma_start3A_22 : memref<256xi32, #tpu.memory_space<hbm>>) target(%dma_start3A_19 : memref<256xi32, #tpu.memory_space<vmem>>) target_semaphore(%arg7 : memref<!tpu.dma_semaphore, #tpu.memory_space<semaphore_mem>>)
      %add3A_23 = arith.constant 1 : i32
      %add3A_24 = arith.addi %add3A_11, %add3A_23 : i32
      %dma_start3A_25 = arith.constant 256 : i32
      %dma_start3A_26 = tpu.memref_slice %arg5[%dma_start3A_25] : memref<2048xi32, #tpu.memory_space<vmem>> -> memref<256xi32, #tpu.memory_space<vmem>>
      %dma_start3A_27 = arith.constant 0 : i32
      %dma_start3A_28 = tpu.memref_slice %arg2[%add3A_24, %dma_start3A_27] : memref<4096x256xi32, #tpu.memory_space<hbm>> -> memref<1x256xi32, #tpu.memory_space<hbm>>
      %dma_start3A_29 = tpu.memref_squeeze %dma_start3A_28 : memref<1x256xi32, #tpu.memory_space<hbm>> -> memref<256xi32, #tpu.memory_space<hbm>>
      %dma_start3A_30 = arith.constant 256 : i32
      %dma_start3A_31 = tpu.memref_slice %arg5[%dma_start3A_30] : memref<2048xi32, #tpu.memory_space<vmem>> -> memref<256xi32, #tpu.memory_space<vmem>>
      %dma_start3A_32 = arith.constant 0 : i32
      %dma_start3A_33 = tpu.memref_slice %arg2[%add3A_24, %dma_start3A_32] : memref<4096x256xi32, #tpu.memory_space<hbm>> -> memref<1x256xi32, #tpu.memory_space<hbm>>
      %dma_start3A_34 = tpu.memref_squeeze %dma_start3A_33 : memref<1x256xi32, #tpu.memory_space<hbm>> -> memref<256xi32, #tpu.memory_space<hbm>>
      tpu.enqueue_dma source(%dma_start3A_34 : memref<256xi32, #tpu.memory_space<hbm>>) target(%dma_start3A_31 : memref<256xi32, #tpu.memory_space<vmem>>) target_semaphore(%arg7 : memref<!tpu.dma_semaphore, #tpu.memory_space<semaphore_mem>>)
      %add3A_35 = arith.constant 2 : i32
      %add3A_36 = arith.addi %add3A_11, %add3A_35 : i32
      %dma_start3A_37 = arith.constant 512 : i32
      %dma_start3A_38 = tpu.memref_slice %arg5[%dma_start3A_37] : memref<2048xi32, #tpu.memory_space<vmem>> -> memref<256xi32, #tpu.memory_space<vmem>>
      %dma_start3A_39 = arith.constant 0 : i32
      %dma_start3A_40 = tpu.memref_slice %arg2[%add3A_36, %dma_start3A_39] : memref<4096x256xi32, #tpu.memory_space<hbm>> -> memref<1x256xi32, #tpu.memory_space<hbm>>
      %dma_start3A_41 = tpu.memref_squeeze %dma_start3A_40 : memref<1x256xi32, #tpu.memory_space<hbm>> -> memref<256xi32, #tpu.memory_space<hbm>>
      %dma_start3A_42 = arith.constant 512 : i32
      %dma_start3A_43 = tpu.memref_slice %arg5[%dma_start3A_42] : memref<2048xi32, #tpu.memory_space<vmem>> -> memref<256xi32, #tpu.memory_space<vmem>>
      %dma_start3A_44 = arith.constant 0 : i32
      %dma_start3A_45 = tpu.memref_slice %arg2[%add3A_36, %dma_start3A_44] : memref<4096x256xi32, #tpu.memory_space<hbm>> -> memref<1x256xi32, #tpu.memory_space<hbm>>
      %dma_start3A_46 = tpu.memref_squeeze %dma_start3A_45 : memref<1x256xi32, #tpu.memory_space<hbm>> -> memref<256xi32, #tpu.memory_space<hbm>>
      tpu.enqueue_dma source(%dma_start3A_46 : memref<256xi32, #tpu.memory_space<hbm>>) target(%dma_start3A_43 : memref<256xi32, #tpu.memory_space<vmem>>) target_semaphore(%arg7 : memref<!tpu.dma_semaphore, #tpu.memory_space<semaphore_mem>>)
      %add3A_47 = arith.constant 3 : i32
      %add3A_48 = arith.addi %add3A_11, %add3A_47 : i32
      %dma_start3A_49 = arith.constant 768 : i32
      %dma_start3A_50 = tpu.memref_slice %arg5[%dma_start3A_49] : memref<2048xi32, #tpu.memory_space<vmem>> -> memref<256xi32, #tpu.memory_space<vmem>>
      %dma_start3A_51 = arith.constant 0 : i32
      %dma_start3A_52 = tpu.memref_slice %arg2[%add3A_48, %dma_start3A_51] : memref<4096x256xi32, #tpu.memory_space<hbm>> -> memref<1x256xi32, #tpu.memory_space<hbm>>
      %dma_start3A_53 = tpu.memref_squeeze %dma_start3A_52 : memref<1x256xi32, #tpu.memory_space<hbm>> -> memref<256xi32, #tpu.memory_space<hbm>>
      %dma_start3A_54 = arith.constant 768 : i32
      %dma_start3A_55 = tpu.memref_slice %arg5[%dma_start3A_54] : memref<2048xi32, #tpu.memory_space<vmem>> -> memref<256xi32, #tpu.memory_space<vmem>>
      %dma_start3A_56 = arith.constant 0 : i32
      %dma_start3A_57 = tpu.memref_slice %arg2[%add3A_48, %dma_start3A_56] : memref<4096x256xi32, #tpu.memory_space<hbm>> -> memref<1x256xi32, #tpu.memory_space<hbm>>
      %dma_start3A_58 = tpu.memref_squeeze %dma_start3A_57 : memref<1x256xi32, #tpu.memory_space<hbm>> -> memref<256xi32, #tpu.memory_space<hbm>>
      tpu.enqueue_dma source(%dma_start3A_58 : memref<256xi32, #tpu.memory_space<hbm>>) target(%dma_start3A_55 : memref<256xi32, #tpu.memory_space<vmem>>) target_semaphore(%arg7 : memref<!tpu.dma_semaphore, #tpu.memory_space<semaphore_mem>>)
      %add3A_59 = arith.constant 4 : i32
      %add3A_60 = arith.addi %add3A_11, %add3A_59 : i32
      %dma_start3A_61 = arith.constant 1024 : i32
      %dma_start3A_62 = tpu.memref_slice %arg5[%dma_start3A_61] : memref<2048xi32, #tpu.memory_space<vmem>> -> memref<256xi32, #tpu.memory_space<vmem>>
      %dma_start3A_63 = arith.constant 0 : i32
      %dma_start3A_64 = tpu.memref_slice %arg2[%add3A_60, %dma_start3A_63] : memref<4096x256xi32, #tpu.memory_space<hbm>> -> memref<1x256xi32, #tpu.memory_space<hbm>>
      %dma_start3A_65 = tpu.memref_squeeze %dma_start3A_64 : memref<1x256xi32, #tpu.memory_space<hbm>> -> memref<256xi32, #tpu.memory_space<hbm>>
      %dma_start3A_66 = arith.constant 1024 : i32
      %dma_start3A_67 = tpu.memref_slice %arg5[%dma_start3A_66] : memref<2048xi32, #tpu.memory_space<vmem>> -> memref<256xi32, #tpu.memory_space<vmem>>
      %dma_start3A_68 = arith.constant 0 : i32
      %dma_start3A_69 = tpu.memref_slice %arg2[%add3A_60, %dma_start3A_68] : memref<4096x256xi32, #tpu.memory_space<hbm>> -> memref<1x256xi32, #tpu.memory_space<hbm>>
      %dma_start3A_70 = tpu.memref_squeeze %dma_start3A_69 : memref<1x256xi32, #tpu.memory_space<hbm>> -> memref<256xi32, #tpu.memory_space<hbm>>
      tpu.enqueue_dma source(%dma_start3A_70 : memref<256xi32, #tpu.memory_space<hbm>>) target(%dma_start3A_67 : memref<256xi32, #tpu.memory_space<vmem>>) target_semaphore(%arg7 : memref<!tpu.dma_semaphore, #tpu.memory_space<semaphore_mem>>)
      %add3A_71 = arith.constant 5 : i32
      %add3A_72 = arith.addi %add3A_11, %add3A_71 : i32
      %dma_start3A_73 = arith.constant 1280 : i32
      %dma_start3A_74 = tpu.memref_slice %arg5[%dma_start3A_73] : memref<2048xi32, #tpu.memory_space<vmem>> -> memref<256xi32, #tpu.memory_space<vmem>>
      %dma_start3A_75 = arith.constant 0 : i32
      %dma_start3A_76 = tpu.memref_slice %arg2[%add3A_72, %dma_start3A_75] : memref<4096x256xi32, #tpu.memory_space<hbm>> -> memref<1x256xi32, #tpu.memory_space<hbm>>
      %dma_start3A_77 = tpu.memref_squeeze %dma_start3A_76 : memref<1x256xi32, #tpu.memory_space<hbm>> -> memref<256xi32, #tpu.memory_space<hbm>>
      %dma_start3A_78 = arith.constant 1280 : i32
      %dma_start3A_79 = tpu.memref_slice %arg5[%dma_start3A_78] : memref<2048xi32, #tpu.memory_space<vmem>> -> memref<256xi32, #tpu.memory_space<vmem>>
      %dma_start3A_80 = arith.constant 0 : i32
      %dma_start3A_81 = tpu.memref_slice %arg2[%add3A_72, %dma_start3A_80] : memref<4096x256xi32, #tpu.memory_space<hbm>> -> memref<1x256xi32, #tpu.memory_space<hbm>>
      %dma_start3A_82 = tpu.memref_squeeze %dma_start3A_81 : memref<1x256xi32, #tpu.memory_space<hbm>> -> memref<256xi32, #tpu.memory_space<hbm>>
      tpu.enqueue_dma source(%dma_start3A_82 : memref<256xi32, #tpu.memory_space<hbm>>) target(%dma_start3A_79 : memref<256xi32, #tpu.memory_space<vmem>>) target_semaphore(%arg7 : memref<!tpu.dma_semaphore, #tpu.memory_space<semaphore_mem>>)
      %add3A_83 = arith.constant 6 : i32
      %add3A_84 = arith.addi %add3A_11, %add3A_83 : i32
      %dma_start3A_85 = arith.constant 1536 : i32
      %dma_start3A_86 = tpu.memref_slice %arg5[%dma_start3A_85] : memref<2048xi32, #tpu.memory_space<vmem>> -> memref<256xi32, #tpu.memory_space<vmem>>
      %dma_start3A_87 = arith.constant 0 : i32
      %dma_start3A_88 = tpu.memref_slice %arg2[%add3A_84, %dma_start3A_87] : memref<4096x256xi32, #tpu.memory_space<hbm>> -> memref<1x256xi32, #tpu.memory_space<hbm>>
      %dma_start3A_89 = tpu.memref_squeeze %dma_start3A_88 : memref<1x256xi32, #tpu.memory_space<hbm>> -> memref<256xi32, #tpu.memory_space<hbm>>
      %dma_start3A_90 = arith.constant 1536 : i32
      %dma_start3A_91 = tpu.memref_slice %arg5[%dma_start3A_90] : memref<2048xi32, #tpu.memory_space<vmem>> -> memref<256xi32, #tpu.memory_space<vmem>>
      %dma_start3A_92 = arith.constant 0 : i32
      %dma_start3A_93 = tpu.memref_slice %arg2[%add3A_84, %dma_start3A_92] : memref<4096x256xi32, #tpu.memory_space<hbm>> -> memref<1x256xi32, #tpu.memory_space<hbm>>
      %dma_start3A_94 = tpu.memref_squeeze %dma_start3A_93 : memref<1x256xi32, #tpu.memory_space<hbm>> -> memref<256xi32, #tpu.memory_space<hbm>>
      tpu.enqueue_dma source(%dma_start3A_94 : memref<256xi32, #tpu.memory_space<hbm>>) target(%dma_start3A_91 : memref<256xi32, #tpu.memory_space<vmem>>) target_semaphore(%arg7 : memref<!tpu.dma_semaphore, #tpu.memory_space<semaphore_mem>>)
      %add3A_95 = arith.constant 7 : i32
      %add3A_96 = arith.addi %add3A_11, %add3A_95 : i32
      %dma_start3A_97 = arith.constant 1792 : i32
      %dma_start3A_98 = tpu.memref_slice %arg5[%dma_start3A_97] : memref<2048xi32, #tpu.memory_space<vmem>> -> memref<256xi32, #tpu.memory_space<vmem>>
      %dma_start3A_99 = arith.constant 0 : i32
      %dma_start3A_100 = tpu.memref_slice %arg2[%add3A_96, %dma_start3A_99] : memref<4096x256xi32, #tpu.memory_space<hbm>> -> memref<1x256xi32, #tpu.memory_space<hbm>>
      %dma_start3A_101 = tpu.memref_squeeze %dma_start3A_100 : memref<1x256xi32, #tpu.memory_space<hbm>> -> memref<256xi32, #tpu.memory_space<hbm>>
      %dma_start3A_102 = arith.constant 1792 : i32
      %dma_start3A_103 = tpu.memref_slice %arg5[%dma_start3A_102] : memref<2048xi32, #tpu.memory_space<vmem>> -> memref<256xi32, #tpu.memory_space<vmem>>
      %dma_start3A_104 = arith.constant 0 : i32
      %dma_start3A_105 = tpu.memref_slice %arg2[%add3A_96, %dma_start3A_104] : memref<4096x256xi32, #tpu.memory_space<hbm>> -> memref<1x256xi32, #tpu.memory_space<hbm>>
      %dma_start3A_106 = tpu.memref_squeeze %dma_start3A_105 : memref<1x256xi32, #tpu.memory_space<hbm>> -> memref<256xi32, #tpu.memory_space<hbm>>
      tpu.enqueue_dma source(%dma_start3A_106 : memref<256xi32, #tpu.memory_space<hbm>>) target(%dma_start3A_103 : memref<256xi32, #tpu.memory_space<vmem>>) target_semaphore(%arg7 : memref<!tpu.dma_semaphore, #tpu.memory_space<semaphore_mem>>)
      %dma_wait3A = arith.constant 0 : i32
      %dma_wait3A_107 = tpu.memref_slice %arg5[%dma_wait3A] : memref<2048xi32, #tpu.memory_space<vmem>> -> memref<256xi32, #tpu.memory_space<vmem>>
      %dma_wait3A_108 = arith.constant 0 : i32
      %dma_wait3A_109 = tpu.memref_slice %arg2[%add3A_13, %dma_wait3A_108] : memref<4096x256xi32, #tpu.memory_space<hbm>> -> memref<1x256xi32, #tpu.memory_space<hbm>>
      %dma_wait3A_110 = tpu.memref_squeeze %dma_wait3A_109 : memref<1x256xi32, #tpu.memory_space<hbm>> -> memref<256xi32, #tpu.memory_space<hbm>>
      %dma_wait3A_111 = arith.constant 0 : i32
      %dma_wait3A_112 = tpu.memref_slice %arg5[%dma_wait3A_111] : memref<2048xi32, #tpu.memory_space<vmem>> -> memref<256xi32, #tpu.memory_space<vmem>>
      %dma_wait3A_113 = arith.constant 0 : i32
      %dma_wait3A_114 = tpu.memref_slice %arg2[%add3A_13, %dma_wait3A_113] : memref<4096x256xi32, #tpu.memory_space<hbm>> -> memref<1x256xi32, #tpu.memory_space<hbm>>
      %dma_wait3A_115 = tpu.memref_squeeze %dma_wait3A_114 : memref<1x256xi32, #tpu.memory_space<hbm>> -> memref<256xi32, #tpu.memory_space<hbm>>
      tpu.wait_dma2 semaphore(%arg7 : memref<!tpu.dma_semaphore, #tpu.memory_space<semaphore_mem>>) src(%dma_wait3A_115 : memref<256xi32, #tpu.memory_space<hbm>>) dst(%dma_wait3A_112 : memref<256xi32, #tpu.memory_space<vmem>>)
      %dma_wait3A_116 = arith.constant 256 : i32
      %dma_wait3A_117 = tpu.memref_slice %arg5[%dma_wait3A_116] : memref<2048xi32, #tpu.memory_space<vmem>> -> memref<256xi32, #tpu.memory_space<vmem>>
      %dma_wait3A_118 = arith.constant 0 : i32
      %dma_wait3A_119 = tpu.memref_slice %arg2[%add3A_24, %dma_wait3A_118] : memref<4096x256xi32, #tpu.memory_space<hbm>> -> memref<1x256xi32, #tpu.memory_space<hbm>>
      %dma_wait3A_120 = tpu.memref_squeeze %dma_wait3A_119 : memref<1x256xi32, #tpu.memory_space<hbm>> -> memref<256xi32, #tpu.memory_space<hbm>>
      %dma_wait3A_121 = arith.constant 256 : i32
      %dma_wait3A_122 = tpu.memref_slice %arg5[%dma_wait3A_121] : memref<2048xi32, #tpu.memory_space<vmem>> -> memref<256xi32, #tpu.memory_space<vmem>>
      %dma_wait3A_123 = arith.constant 0 : i32
      %dma_wait3A_124 = tpu.memref_slice %arg2[%add3A_24, %dma_wait3A_123] : memref<4096x256xi32, #tpu.memory_space<hbm>> -> memref<1x256xi32, #tpu.memory_space<hbm>>
      %dma_wait3A_125 = tpu.memref_squeeze %dma_wait3A_124 : memref<1x256xi32, #tpu.memory_space<hbm>> -> memref<256xi32, #tpu.memory_space<hbm>>
      tpu.wait_dma2 semaphore(%arg7 : memref<!tpu.dma_semaphore, #tpu.memory_space<semaphore_mem>>) src(%dma_wait3A_125 : memref<256xi32, #tpu.memory_space<hbm>>) dst(%dma_wait3A_122 : memref<256xi32, #tpu.memory_space<vmem>>)
      %dma_wait3A_126 = arith.constant 512 : i32
      %dma_wait3A_127 = tpu.memref_slice %arg5[%dma_wait3A_126] : memref<2048xi32, #tpu.memory_space<vmem>> -> memref<256xi32, #tpu.memory_space<vmem>>
      %dma_wait3A_128 = arith.constant 0 : i32
      %dma_wait3A_129 = tpu.memref_slice %arg2[%add3A_36, %dma_wait3A_128] : memref<4096x256xi32, #tpu.memory_space<hbm>> -> memref<1x256xi32, #tpu.memory_space<hbm>>
      %dma_wait3A_130 = tpu.memref_squeeze %dma_wait3A_129 : memref<1x256xi32, #tpu.memory_space<hbm>> -> memref<256xi32, #tpu.memory_space<hbm>>
      %dma_wait3A_131 = arith.constant 512 : i32
      %dma_wait3A_132 = tpu.memref_slice %arg5[%dma_wait3A_131] : memref<2048xi32, #tpu.memory_space<vmem>> -> memref<256xi32, #tpu.memory_space<vmem>>
      %dma_wait3A_133 = arith.constant 0 : i32
      %dma_wait3A_134 = tpu.memref_slice %arg2[%add3A_36, %dma_wait3A_133] : memref<4096x256xi32, #tpu.memory_space<hbm>> -> memref<1x256xi32, #tpu.memory_space<hbm>>
      %dma_wait3A_135 = tpu.memref_squeeze %dma_wait3A_134 : memref<1x256xi32, #tpu.memory_space<hbm>> -> memref<256xi32, #tpu.memory_space<hbm>>
      tpu.wait_dma2 semaphore(%arg7 : memref<!tpu.dma_semaphore, #tpu.memory_space<semaphore_mem>>) src(%dma_wait3A_135 : memref<256xi32, #tpu.memory_space<hbm>>) dst(%dma_wait3A_132 : memref<256xi32, #tpu.memory_space<vmem>>)
      %dma_wait3A_136 = arith.constant 768 : i32
      %dma_wait3A_137 = tpu.memref_slice %arg5[%dma_wait3A_136] : memref<2048xi32, #tpu.memory_space<vmem>> -> memref<256xi32, #tpu.memory_space<vmem>>
      %dma_wait3A_138 = arith.constant 0 : i32
      %dma_wait3A_139 = tpu.memref_slice %arg2[%add3A_48, %dma_wait3A_138] : memref<4096x256xi32, #tpu.memory_space<hbm>> -> memref<1x256xi32, #tpu.memory_space<hbm>>
      %dma_wait3A_140 = tpu.memref_squeeze %dma_wait3A_139 : memref<1x256xi32, #tpu.memory_space<hbm>> -> memref<256xi32, #tpu.memory_space<hbm>>
      %dma_wait3A_141 = arith.constant 768 : i32
      %dma_wait3A_142 = tpu.memref_slice %arg5[%dma_wait3A_141] : memref<2048xi32, #tpu.memory_space<vmem>> -> memref<256xi32, #tpu.memory_space<vmem>>
      %dma_wait3A_143 = arith.constant 0 : i32
      %dma_wait3A_144 = tpu.memref_slice %arg2[%add3A_48, %dma_wait3A_143] : memref<4096x256xi32, #tpu.memory_space<hbm>> -> memref<1x256xi32, #tpu.memory_space<hbm>>
      %dma_wait3A_145 = tpu.memref_squeeze %dma_wait3A_144 : memref<1x256xi32, #tpu.memory_space<hbm>> -> memref<256xi32, #tpu.memory_space<hbm>>
      tpu.wait_dma2 semaphore(%arg7 : memref<!tpu.dma_semaphore, #tpu.memory_space<semaphore_mem>>) src(%dma_wait3A_145 : memref<256xi32, #tpu.memory_space<hbm>>) dst(%dma_wait3A_142 : memref<256xi32, #tpu.memory_space<vmem>>)
      %dma_wait3A_146 = arith.constant 1024 : i32
      %dma_wait3A_147 = tpu.memref_slice %arg5[%dma_wait3A_146] : memref<2048xi32, #tpu.memory_space<vmem>> -> memref<256xi32, #tpu.memory_space<vmem>>
      %dma_wait3A_148 = arith.constant 0 : i32
      %dma_wait3A_149 = tpu.memref_slice %arg2[%add3A_60, %dma_wait3A_148] : memref<4096x256xi32, #tpu.memory_space<hbm>> -> memref<1x256xi32, #tpu.memory_space<hbm>>
      %dma_wait3A_150 = tpu.memref_squeeze %dma_wait3A_149 : memref<1x256xi32, #tpu.memory_space<hbm>> -> memref<256xi32, #tpu.memory_space<hbm>>
      %dma_wait3A_151 = arith.constant 1024 : i32
      %dma_wait3A_152 = tpu.memref_slice %arg5[%dma_wait3A_151] : memref<2048xi32, #tpu.memory_space<vmem>> -> memref<256xi32, #tpu.memory_space<vmem>>
      %dma_wait3A_153 = arith.constant 0 : i32
      %dma_wait3A_154 = tpu.memref_slice %arg2[%add3A_60, %dma_wait3A_153] : memref<4096x256xi32, #tpu.memory_space<hbm>> -> memref<1x256xi32, #tpu.memory_space<hbm>>
      %dma_wait3A_155 = tpu.memref_squeeze %dma_wait3A_154 : memref<1x256xi32, #tpu.memory_space<hbm>> -> memref<256xi32, #tpu.memory_space<hbm>>
      tpu.wait_dma2 semaphore(%arg7 : memref<!tpu.dma_semaphore, #tpu.memory_space<semaphore_mem>>) src(%dma_wait3A_155 : memref<256xi32, #tpu.memory_space<hbm>>) dst(%dma_wait3A_152 : memref<256xi32, #tpu.memory_space<vmem>>)
      %dma_wait3A_156 = arith.constant 1280 : i32
      %dma_wait3A_157 = tpu.memref_slice %arg5[%dma_wait3A_156] : memref<2048xi32, #tpu.memory_space<vmem>> -> memref<256xi32, #tpu.memory_space<vmem>>
      %dma_wait3A_158 = arith.constant 0 : i32
      %dma_wait3A_159 = tpu.memref_slice %arg2[%add3A_72, %dma_wait3A_158] : memref<4096x256xi32, #tpu.memory_space<hbm>> -> memref<1x256xi32, #tpu.memory_space<hbm>>
      %dma_wait3A_160 = tpu.memref_squeeze %dma_wait3A_159 : memref<1x256xi32, #tpu.memory_space<hbm>> -> memref<256xi32, #tpu.memory_space<hbm>>
      %dma_wait3A_161 = arith.constant 1280 : i32
      %dma_wait3A_162 = tpu.memref_slice %arg5[%dma_wait3A_161] : memref<2048xi32, #tpu.memory_space<vmem>> -> memref<256xi32, #tpu.memory_space<vmem>>
      %dma_wait3A_163 = arith.constant 0 : i32
      %dma_wait3A_164 = tpu.memref_slice %arg2[%add3A_72, %dma_wait3A_163] : memref<4096x256xi32, #tpu.memory_space<hbm>> -> memref<1x256xi32, #tpu.memory_space<hbm>>
      %dma_wait3A_165 = tpu.memref_squeeze %dma_wait3A_164 : memref<1x256xi32, #tpu.memory_space<hbm>> -> memref<256xi32, #tpu.memory_space<hbm>>
      tpu.wait_dma2 semaphore(%arg7 : memref<!tpu.dma_semaphore, #tpu.memory_space<semaphore_mem>>) src(%dma_wait3A_165 : memref<256xi32, #tpu.memory_space<hbm>>) dst(%dma_wait3A_162 : memref<256xi32, #tpu.memory_space<vmem>>)
      %dma_wait3A_166 = arith.constant 1536 : i32
      %dma_wait3A_167 = tpu.memref_slice %arg5[%dma_wait3A_166] : memref<2048xi32, #tpu.memory_space<vmem>> -> memref<256xi32, #tpu.memory_space<vmem>>
      %dma_wait3A_168 = arith.constant 0 : i32
      %dma_wait3A_169 = tpu.memref_slice %arg2[%add3A_84, %dma_wait3A_168] : memref<4096x256xi32, #tpu.memory_space<hbm>> -> memref<1x256xi32, #tpu.memory_space<hbm>>
      %dma_wait3A_170 = tpu.memref_squeeze %dma_wait3A_169 : memref<1x256xi32, #tpu.memory_space<hbm>> -> memref<256xi32, #tpu.memory_space<hbm>>
      %dma_wait3A_171 = arith.constant 1536 : i32
      %dma_wait3A_172 = tpu.memref_slice %arg5[%dma_wait3A_171] : memref<2048xi32, #tpu.memory_space<vmem>> -> memref<256xi32, #tpu.memory_space<vmem>>
      %dma_wait3A_173 = arith.constant 0 : i32
      %dma_wait3A_174 = tpu.memref_slice %arg2[%add3A_84, %dma_wait3A_173] : memref<4096x256xi32, #tpu.memory_space<hbm>> -> memref<1x256xi32, #tpu.memory_space<hbm>>
      %dma_wait3A_175 = tpu.memref_squeeze %dma_wait3A_174 : memref<1x256xi32, #tpu.memory_space<hbm>> -> memref<256xi32, #tpu.memory_space<hbm>>
      tpu.wait_dma2 semaphore(%arg7 : memref<!tpu.dma_semaphore, #tpu.memory_space<semaphore_mem>>) src(%dma_wait3A_175 : memref<256xi32, #tpu.memory_space<hbm>>) dst(%dma_wait3A_172 : memref<256xi32, #tpu.memory_space<vmem>>)
      %dma_wait3A_176 = arith.constant 1792 : i32
      %dma_wait3A_177 = tpu.memref_slice %arg5[%dma_wait3A_176] : memref<2048xi32, #tpu.memory_space<vmem>> -> memref<256xi32, #tpu.memory_space<vmem>>
      %dma_wait3A_178 = arith.constant 0 : i32
      %dma_wait3A_179 = tpu.memref_slice %arg2[%add3A_96, %dma_wait3A_178] : memref<4096x256xi32, #tpu.memory_space<hbm>> -> memref<1x256xi32, #tpu.memory_space<hbm>>
      %dma_wait3A_180 = tpu.memref_squeeze %dma_wait3A_179 : memref<1x256xi32, #tpu.memory_space<hbm>> -> memref<256xi32, #tpu.memory_space<hbm>>
      %dma_wait3A_181 = arith.constant 1792 : i32
      %dma_wait3A_182 = tpu.memref_slice %arg5[%dma_wait3A_181] : memref<2048xi32, #tpu.memory_space<vmem>> -> memref<256xi32, #tpu.memory_space<vmem>>
      %dma_wait3A_183 = arith.constant 0 : i32
      %dma_wait3A_184 = tpu.memref_slice %arg2[%add3A_96, %dma_wait3A_183] : memref<4096x256xi32, #tpu.memory_space<hbm>> -> memref<1x256xi32, #tpu.memory_space<hbm>>
      %dma_wait3A_185 = tpu.memref_squeeze %dma_wait3A_184 : memref<1x256xi32, #tpu.memory_space<hbm>> -> memref<256xi32, #tpu.memory_space<hbm>>
      tpu.wait_dma2 semaphore(%arg7 : memref<!tpu.dma_semaphore, #tpu.memory_space<semaphore_mem>>) src(%dma_wait3A_185 : memref<256xi32, #tpu.memory_space<hbm>>) dst(%dma_wait3A_182 : memref<256xi32, #tpu.memory_space<vmem>>)
      %dma_start3A_186 = arith.constant 0 : i32
      %dma_start3A_187 = arith.constant 0 : i32
      %dma_start3A_188 = tpu.memref_slice %arg6[%dma_start3A_186, %dma_start3A_187] : memref<1600x32xf32, #tpu.memory_space<vmem>> -> memref<200x32xf32, #tpu.memory_space<vmem>>
      %dma_start3A_189 = arith.constant 0 : i32
      %dma_start3A_190 = tpu.memref_slice %arg5[%dma_start3A_189] : memref<2048xi32, #tpu.memory_space<vmem>> -> memref<200xi32, #tpu.memory_space<vmem>>
      %dma_start3A_191 = arith.constant 0 : i32
      %dma_start3A_192 = arith.constant 0 : i32
      %dma_start3A_193 = tpu.memref_slice %arg3[%dma_start3A_191, %dma_start3A_192] : memref<1000000x32xf32, #tpu.memory_space<hbm>> -> memref<1000000x32xf32, #tpu.memory_space<hbm>>
      tpu.enqueue_indirect_dma source(%dma_start3A_193 : memref<1000000x32xf32, #tpu.memory_space<hbm>>) target(%dma_start3A_188 : memref<200x32xf32, #tpu.memory_space<vmem>>) offsets(%dma_start3A_190 : memref<200xi32, #tpu.memory_space<vmem>>) semaphore(%arg8 : memref<!tpu.dma_semaphore, #tpu.memory_space<semaphore_mem>>)
      %dma_start3A_194 = arith.constant 200 : i32
      %dma_start3A_195 = arith.constant 0 : i32
      %dma_start3A_196 = tpu.memref_slice %arg6[%dma_start3A_194, %dma_start3A_195] : memref<1600x32xf32, #tpu.memory_space<vmem>> -> memref<200x32xf32, #tpu.memory_space<vmem>>
      %dma_start3A_197 = arith.constant 256 : i32
      %dma_start3A_198 = tpu.memref_slice %arg5[%dma_start3A_197] : memref<2048xi32, #tpu.memory_space<vmem>> -> memref<200xi32, #tpu.memory_space<vmem>>
      %dma_start3A_199 = arith.constant 0 : i32
      %dma_start3A_200 = arith.constant 0 : i32
      %dma_start3A_201 = tpu.memref_slice %arg3[%dma_start3A_199, %dma_start3A_200] : memref<1000000x32xf32, #tpu.memory_space<hbm>> -> memref<1000000x32xf32, #tpu.memory_space<hbm>>
      tpu.enqueue_indirect_dma source(%dma_start3A_201 : memref<1000000x32xf32, #tpu.memory_space<hbm>>) target(%dma_start3A_196 : memref<200x32xf32, #tpu.memory_space<vmem>>) offsets(%dma_start3A_198 : memref<200xi32, #tpu.memory_space<vmem>>) semaphore(%arg8 : memref<!tpu.dma_semaphore, #tpu.memory_space<semaphore_mem>>)
      %dma_start3A_202 = arith.constant 400 : i32
      %dma_start3A_203 = arith.constant 0 : i32
      %dma_start3A_204 = tpu.memref_slice %arg6[%dma_start3A_202, %dma_start3A_203] : memref<1600x32xf32, #tpu.memory_space<vmem>> -> memref<200x32xf32, #tpu.memory_space<vmem>>
      %dma_start3A_205 = arith.constant 512 : i32
      %dma_start3A_206 = tpu.memref_slice %arg5[%dma_start3A_205] : memref<2048xi32, #tpu.memory_space<vmem>> -> memref<200xi32, #tpu.memory_space<vmem>>
      %dma_start3A_207 = arith.constant 0 : i32
      %dma_start3A_208 = arith.constant 0 : i32
      %dma_start3A_209 = tpu.memref_slice %arg3[%dma_start3A_207, %dma_start3A_208] : memref<1000000x32xf32, #tpu.memory_space<hbm>> -> memref<1000000x32xf32, #tpu.memory_space<hbm>>
      tpu.enqueue_indirect_dma source(%dma_start3A_209 : memref<1000000x32xf32, #tpu.memory_space<hbm>>) target(%dma_start3A_204 : memref<200x32xf32, #tpu.memory_space<vmem>>) offsets(%dma_start3A_206 : memref<200xi32, #tpu.memory_space<vmem>>) semaphore(%arg8 : memref<!tpu.dma_semaphore, #tpu.memory_space<semaphore_mem>>)
      %dma_start3A_210 = arith.constant 600 : i32
      %dma_start3A_211 = arith.constant 0 : i32
      %dma_start3A_212 = tpu.memref_slice %arg6[%dma_start3A_210, %dma_start3A_211] : memref<1600x32xf32, #tpu.memory_space<vmem>> -> memref<200x32xf32, #tpu.memory_space<vmem>>
      %dma_start3A_213 = arith.constant 768 : i32
      %dma_start3A_214 = tpu.memref_slice %arg5[%dma_start3A_213] : memref<2048xi32, #tpu.memory_space<vmem>> -> memref<200xi32, #tpu.memory_space<vmem>>
      %dma_start3A_215 = arith.constant 0 : i32
      %dma_start3A_216 = arith.constant 0 : i32
      %dma_start3A_217 = tpu.memref_slice %arg3[%dma_start3A_215, %dma_start3A_216] : memref<1000000x32xf32, #tpu.memory_space<hbm>> -> memref<1000000x32xf32, #tpu.memory_space<hbm>>
      tpu.enqueue_indirect_dma source(%dma_start3A_217 : memref<1000000x32xf32, #tpu.memory_space<hbm>>) target(%dma_start3A_212 : memref<200x32xf32, #tpu.memory_space<vmem>>) offsets(%dma_start3A_214 : memref<200xi32, #tpu.memory_space<vmem>>) semaphore(%arg8 : memref<!tpu.dma_semaphore, #tpu.memory_space<semaphore_mem>>)
      %dma_start3A_218 = arith.constant 800 : i32
      %dma_start3A_219 = arith.constant 0 : i32
      %dma_start3A_220 = tpu.memref_slice %arg6[%dma_start3A_218, %dma_start3A_219] : memref<1600x32xf32, #tpu.memory_space<vmem>> -> memref<200x32xf32, #tpu.memory_space<vmem>>
      %dma_start3A_221 = arith.constant 1024 : i32
      %dma_start3A_222 = tpu.memref_slice %arg5[%dma_start3A_221] : memref<2048xi32, #tpu.memory_space<vmem>> -> memref<200xi32, #tpu.memory_space<vmem>>
      %dma_start3A_223 = arith.constant 0 : i32
      %dma_start3A_224 = arith.constant 0 : i32
      %dma_start3A_225 = tpu.memref_slice %arg3[%dma_start3A_223, %dma_start3A_224] : memref<1000000x32xf32, #tpu.memory_space<hbm>> -> memref<1000000x32xf32, #tpu.memory_space<hbm>>
      tpu.enqueue_indirect_dma source(%dma_start3A_225 : memref<1000000x32xf32, #tpu.memory_space<hbm>>) target(%dma_start3A_220 : memref<200x32xf32, #tpu.memory_space<vmem>>) offsets(%dma_start3A_222 : memref<200xi32, #tpu.memory_space<vmem>>) semaphore(%arg8 : memref<!tpu.dma_semaphore, #tpu.memory_space<semaphore_mem>>)
      %dma_start3A_226 = arith.constant 1000 : i32
      %dma_start3A_227 = arith.constant 0 : i32
      %dma_start3A_228 = tpu.memref_slice %arg6[%dma_start3A_226, %dma_start3A_227] : memref<1600x32xf32, #tpu.memory_space<vmem>> -> memref<200x32xf32, #tpu.memory_space<vmem>>
      %dma_start3A_229 = arith.constant 1280 : i32
      %dma_start3A_230 = tpu.memref_slice %arg5[%dma_start3A_229] : memref<2048xi32, #tpu.memory_space<vmem>> -> memref<200xi32, #tpu.memory_space<vmem>>
      %dma_start3A_231 = arith.constant 0 : i32
      %dma_start3A_232 = arith.constant 0 : i32
      %dma_start3A_233 = tpu.memref_slice %arg3[%dma_start3A_231, %dma_start3A_232] : memref<1000000x32xf32, #tpu.memory_space<hbm>> -> memref<1000000x32xf32, #tpu.memory_space<hbm>>
      tpu.enqueue_indirect_dma source(%dma_start3A_233 : memref<1000000x32xf32, #tpu.memory_space<hbm>>) target(%dma_start3A_228 : memref<200x32xf32, #tpu.memory_space<vmem>>) offsets(%dma_start3A_230 : memref<200xi32, #tpu.memory_space<vmem>>) semaphore(%arg8 : memref<!tpu.dma_semaphore, #tpu.memory_space<semaphore_mem>>)
      %dma_start3A_234 = arith.constant 1200 : i32
      %dma_start3A_235 = arith.constant 0 : i32
      %dma_start3A_236 = tpu.memref_slice %arg6[%dma_start3A_234, %dma_start3A_235] : memref<1600x32xf32, #tpu.memory_space<vmem>> -> memref<200x32xf32, #tpu.memory_space<vmem>>
      %dma_start3A_237 = arith.constant 1536 : i32
      %dma_start3A_238 = tpu.memref_slice %arg5[%dma_start3A_237] : memref<2048xi32, #tpu.memory_space<vmem>> -> memref<200xi32, #tpu.memory_space<vmem>>
      %dma_start3A_239 = arith.constant 0 : i32
      %dma_start3A_240 = arith.constant 0 : i32
      %dma_start3A_241 = tpu.memref_slice %arg3[%dma_start3A_239, %dma_start3A_240] : memref<1000000x32xf32, #tpu.memory_space<hbm>> -> memref<1000000x32xf32, #tpu.memory_space<hbm>>
      tpu.enqueue_indirect_dma source(%dma_start3A_241 : memref<1000000x32xf32, #tpu.memory_space<hbm>>) target(%dma_start3A_236 : memref<200x32xf32, #tpu.memory_space<vmem>>) offsets(%dma_start3A_238 : memref<200xi32, #tpu.memory_space<vmem>>) semaphore(%arg8 : memref<!tpu.dma_semaphore, #tpu.memory_space<semaphore_mem>>)
      %dma_start3A_242 = arith.constant 1400 : i32
      %dma_start3A_243 = arith.constant 0 : i32
      %dma_start3A_244 = tpu.memref_slice %arg6[%dma_start3A_242, %dma_start3A_243] : memref<1600x32xf32, #tpu.memory_space<vmem>> -> memref<200x32xf32, #tpu.memory_space<vmem>>
      %dma_start3A_245 = arith.constant 1792 : i32
      %dma_start3A_246 = tpu.memref_slice %arg5[%dma_start3A_245] : memref<2048xi32, #tpu.memory_space<vmem>> -> memref<200xi32, #tpu.memory_space<vmem>>
      %dma_start3A_247 = arith.constant 0 : i32
      %dma_start3A_248 = arith.constant 0 : i32
      %dma_start3A_249 = tpu.memref_slice %arg3[%dma_start3A_247, %dma_start3A_248] : memref<1000000x32xf32, #tpu.memory_space<hbm>> -> memref<1000000x32xf32, #tpu.memory_space<hbm>>
      tpu.enqueue_indirect_dma source(%dma_start3A_249 : memref<1000000x32xf32, #tpu.memory_space<hbm>>) target(%dma_start3A_244 : memref<200x32xf32, #tpu.memory_space<vmem>>) offsets(%dma_start3A_246 : memref<200xi32, #tpu.memory_space<vmem>>) semaphore(%arg8 : memref<!tpu.dma_semaphore, #tpu.memory_space<semaphore_mem>>)
      %dma_wait3A_250 = arith.constant 0 : i32
      %dma_wait3A_251 = arith.constant 0 : i32
      %dma_wait3A_252 = tpu.memref_slice %arg6[%dma_wait3A_250, %dma_wait3A_251] : memref<1600x32xf32, #tpu.memory_space<vmem>> -> memref<200x32xf32, #tpu.memory_space<vmem>>
      %dma_wait3A_253 = arith.constant 0 : i32
      %dma_wait3A_254 = tpu.memref_slice %arg5[%dma_wait3A_253] : memref<2048xi32, #tpu.memory_space<vmem>> -> memref<200xi32, #tpu.memory_space<vmem>>
      %dma_wait3A_255 = arith.constant 0 : i32
      %dma_wait3A_256 = arith.constant 0 : i32
      %dma_wait3A_257 = tpu.memref_slice %arg3[%dma_wait3A_255, %dma_wait3A_256] : memref<1000000x32xf32, #tpu.memory_space<hbm>> -> memref<1000000x32xf32, #tpu.memory_space<hbm>>
      tpu.wait_indirect_dma semaphore(%arg8 : memref<!tpu.dma_semaphore, #tpu.memory_space<semaphore_mem>>) src(%dma_wait3A_257 : memref<1000000x32xf32, #tpu.memory_space<hbm>>) dst(%dma_wait3A_252 : memref<200x32xf32, #tpu.memory_space<vmem>>)
      %dma_wait3A_258 = arith.constant 200 : i32
      %dma_wait3A_259 = arith.constant 0 : i32
      %dma_wait3A_260 = tpu.memref_slice %arg6[%dma_wait3A_258, %dma_wait3A_259] : memref<1600x32xf32, #tpu.memory_space<vmem>> -> memref<200x32xf32, #tpu.memory_space<vmem>>
      %dma_wait3A_261 = arith.constant 256 : i32
      %dma_wait3A_262 = tpu.memref_slice %arg5[%dma_wait3A_261] : memref<2048xi32, #tpu.memory_space<vmem>> -> memref<200xi32, #tpu.memory_space<vmem>>
      %dma_wait3A_263 = arith.constant 0 : i32
      %dma_wait3A_264 = arith.constant 0 : i32
      %dma_wait3A_265 = tpu.memref_slice %arg3[%dma_wait3A_263, %dma_wait3A_264] : memref<1000000x32xf32, #tpu.memory_space<hbm>> -> memref<1000000x32xf32, #tpu.memory_space<hbm>>
      tpu.wait_indirect_dma semaphore(%arg8 : memref<!tpu.dma_semaphore, #tpu.memory_space<semaphore_mem>>) src(%dma_wait3A_265 : memref<1000000x32xf32, #tpu.memory_space<hbm>>) dst(%dma_wait3A_260 : memref<200x32xf32, #tpu.memory_space<vmem>>)
      %dma_wait3A_266 = arith.constant 400 : i32
      %dma_wait3A_267 = arith.constant 0 : i32
      %dma_wait3A_268 = tpu.memref_slice %arg6[%dma_wait3A_266, %dma_wait3A_267] : memref<1600x32xf32, #tpu.memory_space<vmem>> -> memref<200x32xf32, #tpu.memory_space<vmem>>
      %dma_wait3A_269 = arith.constant 512 : i32
      %dma_wait3A_270 = tpu.memref_slice %arg5[%dma_wait3A_269] : memref<2048xi32, #tpu.memory_space<vmem>> -> memref<200xi32, #tpu.memory_space<vmem>>
      %dma_wait3A_271 = arith.constant 0 : i32
      %dma_wait3A_272 = arith.constant 0 : i32
      %dma_wait3A_273 = tpu.memref_slice %arg3[%dma_wait3A_271, %dma_wait3A_272] : memref<1000000x32xf32, #tpu.memory_space<hbm>> -> memref<1000000x32xf32, #tpu.memory_space<hbm>>
      tpu.wait_indirect_dma semaphore(%arg8 : memref<!tpu.dma_semaphore, #tpu.memory_space<semaphore_mem>>) src(%dma_wait3A_273 : memref<1000000x32xf32, #tpu.memory_space<hbm>>) dst(%dma_wait3A_268 : memref<200x32xf32, #tpu.memory_space<vmem>>)
      %dma_wait3A_274 = arith.constant 600 : i32
      %dma_wait3A_275 = arith.constant 0 : i32
      %dma_wait3A_276 = tpu.memref_slice %arg6[%dma_wait3A_274, %dma_wait3A_275] : memref<1600x32xf32, #tpu.memory_space<vmem>> -> memref<200x32xf32, #tpu.memory_space<vmem>>
      %dma_wait3A_277 = arith.constant 768 : i32
      %dma_wait3A_278 = tpu.memref_slice %arg5[%dma_wait3A_277] : memref<2048xi32, #tpu.memory_space<vmem>> -> memref<200xi32, #tpu.memory_space<vmem>>
      %dma_wait3A_279 = arith.constant 0 : i32
      %dma_wait3A_280 = arith.constant 0 : i32
      %dma_wait3A_281 = tpu.memref_slice %arg3[%dma_wait3A_279, %dma_wait3A_280] : memref<1000000x32xf32, #tpu.memory_space<hbm>> -> memref<1000000x32xf32, #tpu.memory_space<hbm>>
      tpu.wait_indirect_dma semaphore(%arg8 : memref<!tpu.dma_semaphore, #tpu.memory_space<semaphore_mem>>) src(%dma_wait3A_281 : memref<1000000x32xf32, #tpu.memory_space<hbm>>) dst(%dma_wait3A_276 : memref<200x32xf32, #tpu.memory_space<vmem>>)
      %dma_wait3A_282 = arith.constant 800 : i32
      %dma_wait3A_283 = arith.constant 0 : i32
      %dma_wait3A_284 = tpu.memref_slice %arg6[%dma_wait3A_282, %dma_wait3A_283] : memref<1600x32xf32, #tpu.memory_space<vmem>> -> memref<200x32xf32, #tpu.memory_space<vmem>>
      %dma_wait3A_285 = arith.constant 1024 : i32
      %dma_wait3A_286 = tpu.memref_slice %arg5[%dma_wait3A_285] : memref<2048xi32, #tpu.memory_space<vmem>> -> memref<200xi32, #tpu.memory_space<vmem>>
      %dma_wait3A_287 = arith.constant 0 : i32
      %dma_wait3A_288 = arith.constant 0 : i32
      %dma_wait3A_289 = tpu.memref_slice %arg3[%dma_wait3A_287, %dma_wait3A_288] : memref<1000000x32xf32, #tpu.memory_space<hbm>> -> memref<1000000x32xf32, #tpu.memory_space<hbm>>
      tpu.wait_indirect_dma semaphore(%arg8 : memref<!tpu.dma_semaphore, #tpu.memory_space<semaphore_mem>>) src(%dma_wait3A_289 : memref<1000000x32xf32, #tpu.memory_space<hbm>>) dst(%dma_wait3A_284 : memref<200x32xf32, #tpu.memory_space<vmem>>)
      %dma_wait3A_290 = arith.constant 1000 : i32
      %dma_wait3A_291 = arith.constant 0 : i32
      %dma_wait3A_292 = tpu.memref_slice %arg6[%dma_wait3A_290, %dma_wait3A_291] : memref<1600x32xf32, #tpu.memory_space<vmem>> -> memref<200x32xf32, #tpu.memory_space<vmem>>
      %dma_wait3A_293 = arith.constant 1280 : i32
      %dma_wait3A_294 = tpu.memref_slice %arg5[%dma_wait3A_293] : memref<2048xi32, #tpu.memory_space<vmem>> -> memref<200xi32, #tpu.memory_space<vmem>>
      %dma_wait3A_295 = arith.constant 0 : i32
      %dma_wait3A_296 = arith.constant 0 : i32
      %dma_wait3A_297 = tpu.memref_slice %arg3[%dma_wait3A_295, %dma_wait3A_296] : memref<1000000x32xf32, #tpu.memory_space<hbm>> -> memref<1000000x32xf32, #tpu.memory_space<hbm>>
      tpu.wait_indirect_dma semaphore(%arg8 : memref<!tpu.dma_semaphore, #tpu.memory_space<semaphore_mem>>) src(%dma_wait3A_297 : memref<1000000x32xf32, #tpu.memory_space<hbm>>) dst(%dma_wait3A_292 : memref<200x32xf32, #tpu.memory_space<vmem>>)
      %dma_wait3A_298 = arith.constant 1200 : i32
      %dma_wait3A_299 = arith.constant 0 : i32
      %dma_wait3A_300 = tpu.memref_slice %arg6[%dma_wait3A_298, %dma_wait3A_299] : memref<1600x32xf32, #tpu.memory_space<vmem>> -> memref<200x32xf32, #tpu.memory_space<vmem>>
      %dma_wait3A_301 = arith.constant 1536 : i32
      %dma_wait3A_302 = tpu.memref_slice %arg5[%dma_wait3A_301] : memref<2048xi32, #tpu.memory_space<vmem>> -> memref<200xi32, #tpu.memory_space<vmem>>
      %dma_wait3A_303 = arith.constant 0 : i32
      %dma_wait3A_304 = arith.constant 0 : i32
      %dma_wait3A_305 = tpu.memref_slice %arg3[%dma_wait3A_303, %dma_wait3A_304] : memref<1000000x32xf32, #tpu.memory_space<hbm>> -> memref<1000000x32xf32, #tpu.memory_space<hbm>>
      tpu.wait_indirect_dma semaphore(%arg8 : memref<!tpu.dma_semaphore, #tpu.memory_space<semaphore_mem>>) src(%dma_wait3A_305 : memref<1000000x32xf32, #tpu.memory_space<hbm>>) dst(%dma_wait3A_300 : memref<200x32xf32, #tpu.memory_space<vmem>>)
      %dma_wait3A_306 = arith.constant 1400 : i32
      %dma_wait3A_307 = arith.constant 0 : i32
      %dma_wait3A_308 = tpu.memref_slice %arg6[%dma_wait3A_306, %dma_wait3A_307] : memref<1600x32xf32, #tpu.memory_space<vmem>> -> memref<200x32xf32, #tpu.memory_space<vmem>>
      %dma_wait3A_309 = arith.constant 1792 : i32
      %dma_wait3A_310 = tpu.memref_slice %arg5[%dma_wait3A_309] : memref<2048xi32, #tpu.memory_space<vmem>> -> memref<200xi32, #tpu.memory_space<vmem>>
      %dma_wait3A_311 = arith.constant 0 : i32
      %dma_wait3A_312 = arith.constant 0 : i32
      %dma_wait3A_313 = tpu.memref_slice %arg3[%dma_wait3A_311, %dma_wait3A_312] : memref<1000000x32xf32, #tpu.memory_space<hbm>> -> memref<1000000x32xf32, #tpu.memory_space<hbm>>
      tpu.wait_indirect_dma semaphore(%arg8 : memref<!tpu.dma_semaphore, #tpu.memory_space<semaphore_mem>>) src(%dma_wait3A_313 : memref<1000000x32xf32, #tpu.memory_space<hbm>>) dst(%dma_wait3A_308 : memref<200x32xf32, #tpu.memory_space<vmem>>)
      %mul3A_314 = arith.constant 200 : i32
      %mul3A_315 = arith.muli %add3A_11, %mul3A_314 : i32
      "tpu.region"() ({
        %run_scoped3A = tpu.sem_alloc : memref<!tpu.dma_semaphore, #tpu.memory_space<semaphore_mem>>
        %dma_start3A_316 = arith.constant 0 : i32
        %dma_start3A_317 = tpu.memref_slice %arg4[%mul3A_315, %dma_start3A_316] : memref<819200x32xf32, #tpu.memory_space<hbm>> -> memref<1600x32xf32, #tpu.memory_space<hbm>>
        %dma_start3A_318 = arith.constant 0 : i32
        %dma_start3A_319 = tpu.memref_slice %arg4[%mul3A_315, %dma_start3A_318] : memref<819200x32xf32, #tpu.memory_space<hbm>> -> memref<1600x32xf32, #tpu.memory_space<hbm>>
        tpu.enqueue_dma source(%arg6 : memref<1600x32xf32, #tpu.memory_space<vmem>>) target(%dma_start3A_319 : memref<1600x32xf32, #tpu.memory_space<hbm>>) target_semaphore(%run_scoped3A : memref<!tpu.dma_semaphore, #tpu.memory_space<semaphore_mem>>)
        %dma_wait3A_320 = arith.constant 0 : i32
        %dma_wait3A_321 = tpu.memref_slice %arg4[%mul3A_315, %dma_wait3A_320] : memref<819200x32xf32, #tpu.memory_space<hbm>> -> memref<1600x32xf32, #tpu.memory_space<hbm>>
        %dma_wait3A_322 = arith.constant 0 : i32
        %dma_wait3A_323 = tpu.memref_slice %arg4[%mul3A_315, %dma_wait3A_322] : memref<819200x32xf32, #tpu.memory_space<hbm>> -> memref<1600x32xf32, #tpu.memory_space<hbm>>
        tpu.wait_dma2 semaphore(%run_scoped3A : memref<!tpu.dma_semaphore, #tpu.memory_space<semaphore_mem>>) src(%arg6 : memref<1600x32xf32, #tpu.memory_space<vmem>>) dst(%dma_wait3A_323 : memref<1600x32xf32, #tpu.memory_space<hbm>>)
        tpu.yield
      }) : () -> ()
    }
    %scan3A_7 = arith.constant 16 : i32
    return
  }
}

module attributes {stable_mosaic.version = 14 : i64} {
  func.func @body(%arg0: i32, %arg1: memref<128x200xi32, #tpu.memory_space<vmem>>, %arg2: memref<128x6400xf32, #tpu.memory_space<vmem>>, %arg3: memref<6400x200xbf16, #tpu.memory_space<vmem>>, %arg4: memref<200x6400xbf16, #tpu.memory_space<vmem>>, %arg5: memref<6400x32xbf16, #tpu.memory_space<vmem>>, %arg6: memref<128x32xf32, #tpu.memory_space<vmem>>) attributes {dimension_semantics = [#tpu.dimension_semantics<arbitrary>], iteration_bounds = array<i64: 32>, scalar_prefetch = 0 : i64, scratch_operands = 0 : i64, tpu.core_type = #tpu.core_type<tc>, window_params = [{transform_indices = @transform_0, window_bounds = array<i64: 128, 200>}, {transform_indices = @transform_1, window_bounds = array<i64: 128, 6400>}, {pipeline_mode = #tpu.pipeline_mode<synchronous>, transform_indices = @transform_2, window_bounds = array<i64: 6400, 200>}, {pipeline_mode = #tpu.pipeline_mode<synchronous>, transform_indices = @transform_3, window_bounds = array<i64: 200, 6400>}, {pipeline_mode = #tpu.pipeline_mode<synchronous>, transform_indices = @transform_4, window_bounds = array<i64: 6400, 32>}, {transform_indices = @transform_5, window_bounds = array<i64: 128, 32>}]} {
    %get3A = arith.constant 0 : index
    %get3A_0 = arith.constant 0 : index
    %get3A_1 = vector.load %arg1[%get3A, %get3A_0] : memref<128x200xi32, #tpu.memory_space<vmem>>, vector<128x200xi32>
    %get3A_2 = arith.constant 0 : index
    %get3A_3 = arith.constant 0 : index
    %get3A_4 = vector.load %arg2[%get3A_2, %get3A_3] : memref<128x6400xf32, #tpu.memory_space<vmem>>, vector<128x6400xf32>
    %convert_element_type3A = arith.truncf %get3A_4 : vector<128x6400xf32> to vector<128x6400xbf16>
    %get3A_5 = arith.constant 0 : index
    %get3A_6 = arith.constant 0 : index
    %get3A_7 = vector.load %arg3[%get3A_5, %get3A_6] : memref<6400x200xbf16, #tpu.memory_space<vmem>>, vector<6400x200xbf16>
    %dot_general3A = arith.constant dense<0.000000e+00> : vector<128x200xf32>
    %dot_general3A_8 = tpu.matmul %convert_element_type3A, %get3A_7, %dot_general3A {dimension_numbers = #tpu.dot_dimension_numbers<[1], [0], [0], [1], [0, 0, 1, 1], [], []>, transpose_lhs_hint = false} : vector<128x6400xbf16>, vector<6400x200xbf16>, vector<128x200xf32> -> vector<128x200xf32>
    %ne3A = arith.constant 0 : i32
    %ne3A_9 = vector.broadcast %ne3A : i32 to vector<128x200xi32>
    %ne3A_10 = arith.cmpi ne, %get3A_1, %ne3A_9 : vector<128x200xi32>
    %reduce_or3A = arith.constant 1.000000e+00 : f32
    %reduce_or3A_11 = arith.constant 0.000000e+00 : f32
    %reduce_or3A_12 = vector.broadcast %reduce_or3A : f32 to vector<128x200xf32>
    %reduce_or3A_13 = vector.broadcast %reduce_or3A_11 : f32 to vector<128x200xf32>
    %reduce_or3A_14 = arith.select %ne3A_10, %reduce_or3A_12, %reduce_or3A_13 : vector<128x200xi1>, vector<128x200xf32>
    %reduce_or3A_15 = arith.constant dense<0xFF800000> : vector<128xf32>
    %reduce_or3A_16 = vector.multi_reduction <maximumf>, %reduce_or3A_14, %reduce_or3A_15 [1] : vector<128x200xf32> to vector<128xf32>
    %reduce_or3A_17 = arith.constant 0.000000e+00 : f32
    %reduce_or3A_18 = vector.broadcast %reduce_or3A_17 : f32 to vector<128xf32>
    %reduce_or3A_19 = arith.cmpf ogt, %reduce_or3A_16, %reduce_or3A_18 : vector<128xf32>
    %broadcast_in_dim3A = vector.shape_cast %reduce_or3A_19 : vector<128xi1> to vector<128x1xi1>
    %iota3A = tpu.iota {dimensions = array<i32: 1>} : vector<128x200xi32>
    %eq3A = arith.constant 0 : i32
    %eq3A_20 = vector.broadcast %eq3A : i32 to vector<128x200xi32>
    %eq3A_21 = arith.cmpi eq, %iota3A, %eq3A_20 : vector<128x200xi32>
    %not3A = arith.constant dense<true> : vector<128x1xi1>
    %not3A_22 = arith.xori %broadcast_in_dim3A, %not3A : vector<128x1xi1>
    %and3A = vector.broadcast %not3A_22 : vector<128x1xi1> to vector<128x200xi1>
    %and3A_23 = arith.andi %eq3A_21, %and3A : vector<128x200xi1>
    %or3A = arith.ori %ne3A_10, %and3A_23 : vector<128x200xi1>
    %jit3A = arith.constant 0xFF800000 : f32
    %broadcast_in_dim3A_24 = vector.broadcast %jit3A : f32 to vector<128x200xf32>
    %select_n3A = arith.select %or3A, %dot_general3A_8, %broadcast_in_dim3A_24 : vector<128x200xi1>, vector<128x200xf32>
    %reduce_max3A = arith.constant dense<0xFF800000> : vector<128xf32>
    %reduce_max3A_25 = vector.multi_reduction <maximumf>, %select_n3A, %reduce_max3A [1] : vector<128x200xf32> to vector<128xf32>
    %broadcast_in_dim3A_26 = vector.shape_cast %reduce_max3A_25 : vector<128xf32> to vector<128x1xf32>
    %sub3A = vector.broadcast %broadcast_in_dim3A_26 : vector<128x1xf32> to vector<128x200xf32>
    %sub3A_27 = arith.subf %select_n3A, %sub3A : vector<128x200xf32>
    %exp3A = math.exp %sub3A_27 : vector<128x200xf32>
    %reduce_sum3A = arith.constant dense<0.000000e+00> : vector<128xf32>
    %reduce_sum3A_28 = vector.multi_reduction <add>, %exp3A, %reduce_sum3A [1] : vector<128x200xf32> to vector<128xf32>
    %broadcast_in_dim3A_29 = vector.shape_cast %reduce_sum3A_28 : vector<128xf32> to vector<128x1xf32>
    %div3A = vector.broadcast %broadcast_in_dim3A_29 : vector<128x1xf32> to vector<128x200xf32>
    %div3A_30 = arith.divf %exp3A, %div3A : vector<128x200xf32>
    %convert_element_type3A_31 = arith.truncf %div3A_30 : vector<128x200xf32> to vector<128x200xbf16>
    %get3A_32 = arith.constant 0 : index
    %get3A_33 = arith.constant 0 : index
    %get3A_34 = vector.load %arg4[%get3A_32, %get3A_33] : memref<200x6400xbf16, #tpu.memory_space<vmem>>, vector<200x6400xbf16>
    %dot_general3A_35 = arith.constant dense<0.000000e+00> : vector<128x6400xf32>
    %dot_general3A_36 = tpu.matmul %convert_element_type3A_31, %get3A_34, %dot_general3A_35 {dimension_numbers = #tpu.dot_dimension_numbers<[1], [0], [0], [1], [0, 0, 1, 1], [], []>, transpose_lhs_hint = false} : vector<128x200xbf16>, vector<200x6400xbf16>, vector<128x6400xf32> -> vector<128x6400xf32>
    %mul3A = arith.mulf %dot_general3A_36, %get3A_4 : vector<128x6400xf32>
    %convert_element_type3A_37 = arith.truncf %mul3A : vector<128x6400xf32> to vector<128x6400xbf16>
    %get3A_38 = arith.constant 0 : index
    %get3A_39 = arith.constant 0 : index
    %get3A_40 = vector.load %arg5[%get3A_38, %get3A_39] : memref<6400x32xbf16, #tpu.memory_space<vmem>>, vector<6400x32xbf16>
    %dot_general3A_41 = arith.constant dense<0.000000e+00> : vector<128x32xf32>
    %dot_general3A_42 = tpu.matmul %convert_element_type3A_37, %get3A_40, %dot_general3A_41 {dimension_numbers = #tpu.dot_dimension_numbers<[1], [0], [0], [1], [0, 0, 1, 1], [], []>, transpose_lhs_hint = false} : vector<128x6400xbf16>, vector<6400x32xbf16>, vector<128x32xf32> -> vector<128x32xf32>
    %swap3A = arith.constant 0 : index
    %swap3A_43 = arith.constant 0 : index
    %swap3A_44 = vector.load %arg6[%swap3A, %swap3A_43] : memref<128x32xf32, #tpu.memory_space<vmem>>, vector<128x32xf32>
    tpu.vector_store %arg6[%swap3A, %swap3A_43], %dot_general3A_42 {strides = array<i32>} : memref<128x32xf32, #tpu.memory_space<vmem>>, vector<128x32xf32>,
    return
  }
  func.func @transform_0(%arg0: i32) -> (i32, i32) {
    %c0_i32 = arith.constant 0 : i32
    %c0_i32_0 = arith.constant 0 : i32
    return %arg0, %c0_i32 : i32, i32
  }
  func.func @transform_1(%arg0: i32) -> (i32, i32) {
    %c0_i32 = arith.constant 0 : i32
    %c0_i32_0 = arith.constant 0 : i32
    return %arg0, %c0_i32 : i32, i32
  }
  func.func @transform_2(%arg0: i32) -> (i32, i32) {
    %c0_i32 = arith.constant 0 : i32
    %c0_i32_0 = arith.constant 0 : i32
    %c0_i32_1 = arith.constant 0 : i32
    return %c0_i32, %c0_i32_0 : i32, i32
  }
  func.func @transform_3(%arg0: i32) -> (i32, i32) {
    %c0_i32 = arith.constant 0 : i32
    %c0_i32_0 = arith.constant 0 : i32
    %c0_i32_1 = arith.constant 0 : i32
    return %c0_i32, %c0_i32_0 : i32, i32
  }
  func.func @transform_4(%arg0: i32) -> (i32, i32) {
    %c0_i32 = arith.constant 0 : i32
    %c0_i32_0 = arith.constant 0 : i32
    %c0_i32_1 = arith.constant 0 : i32
    return %c0_i32, %c0_i32_0 : i32, i32
  }
  func.func @transform_5(%arg0: i32) -> (i32, i32) {
    %c0_i32 = arith.constant 0 : i32
    %c0_i32_0 = arith.constant 0 : i32
    return %arg0, %c0_i32 : i32, i32
  }
}

</mosaic_0001>

<sc_bundles>
// kernel: kernel.4.cloned.1.call-start
scs
__scs_entry_jumppad:
0x0: {  	(pc) =	sbr.rel $0x88, $3  }
0x1: {  	(tag) =	ssettag $0x0;
	lr =	simm.s32 $0x1  }
0x2: {  	[smem:$0x3F9E] =	sst lr;
	_ =	strace $0xD0000000  }
0x3: {  	_ = 	snop  }
0x4: {  	_ = 	snop  }
0x5: {  	_ = 	snop  }
0x6: {  	_ = 	snop  }
0x7: {  	_ = 	snop  }
__scs_overlays_trampoline_lowered:
0x8: {  	[smem:$0x3FAD] =	sst s0  }
0x9: {  	[smem:$0x3FAE] =	sst s1  }
0xa: {  	[smem:$0x3FAF] =	sst s2  }
0xb: {  	[smem:$0x3FB0] =	sst s3  }
0xc: {  	[smem:$0x3FB1] =	sst s4  }
0xd: {  	[smem:$0x3FB2] =	sst s5  }
0xe: {  	[smem:$0x3FB3] =	sst s6  }
0xf: {  	[smem:$0x3FB4] =	sst s7  }
0x10: {  	[smem:$0x3FB5] =	sst s8  }
0x11: {  	[smem:$0x3FB6] =	sst s9;
	s0 =	simm.s32 @!p0 $0x0  }
0x12: {  	s1 =	sld [smem:$0x3F9C];
	s0 =	simm.s32 @p0 $0x1  }
0x13: {  	[smem:$0x3FB7] =	sst s0;
	s0 =	simm.s32 @!p1 $0x0  }
0x14: {  	s2 =	sld [smem:$0x3F9B];
	s0 =	simm.s32 @p1 $0x1  }
0x15: {  	[smem:$0x3FB8] =	sst s0;
	s0 =	simm.s32 @!p2 $0x0  }
0x16: {  	s3 =	sld [smem:$0x3FDB];
	s0 =	simm.s32 @p2 $0x1  }
0x17: {  	s4 =	simm.s32 $0x1BF5;
	[smem:$0x3FBA] =	sst s0  }
0x18: {  	s0 =	sld [smem:$0x3F9D];
	_ =	swait.ge [sflag:s4], $0x0  }
0x19: {  	s7 =	sld [smem:$0x3F9E]  }
0x1a: {  	s8 =	sadd.s32 $0xFFFFE003, lr  }
0x1b: {  	s9 =	sadd.s32 $0xFFFFFEF7, lr;
	s5 =	simm.s32 $0xFFFFFFFF;
	p2 =	slt.u32 s8, $0xFFFFF086  }
0x1c: {  	p1 =	slt.u32 s9, $0xF7A;
	s5 =	simm.s32 @!p2 $0x0  }
0x1d: {  	s5 =	simm.s32 @p1 $0x1;
	p0 =	seq.s32 s7, s2  }
0x1e: {  	s7 =	smul.u32 @!p0 $0xF7A, s2;
	p2 =	seq.s32 @!p0 s5, $0x0  }
0x1f: {  	s9 =	smul.u32 $0xF7A, s1;
	s8 =	simm.s32 @!p0 $0x1BF5;
	p2 =	por !p2, p0  }
0x20: {  	[sflag:s8] =	ssyncset.s32 @!p0 $0xFFFFF086;
	s6 =	sadd.s32 @!p0 s3, s7;
	s7 =	simm.s32 @!p0 $0x108  }
0x21: {  	s3 =	sadd.s32 s3, s9;
	s6 =	sadd.s32 @!p0 $0x88, s6;
	s7 =	simm.s32 @p2 $0x1082  }
0x22: {  	[simem:s7], [sflag:s8] =	dma.local @!p0 [hbm:s6], $0xF7A  }
0x23: {  	s9 =	sor.u32 $0xD0000000, s2;
	s6 =	simm.s32 $0x108;
	_ =	swait.ge @!p0 [sflag:s8], $0x0  }
0x24: {  	s3 =	sadd.s32 $0x88, s3;
	s6 =	simm.s32 @!p1 $0x1082;
	[sflag:s4] =	ssyncset.s32 $0xFFFFF086  }
0x25: {  	[simem:s6], [sflag:s4] =	dma.local [hbm:s3], $0xF7A  }
0x26: {  	[smem:$0x3F9E] =	sst s1;
	(tag) =	ssettag s2;
	_ =	strace s9  }
0x27: {  	s1 =	sld [smem:$0x3FAE]  }
0x28: {  	s2 =	sld [smem:$0x3FAF]  }
0x29: {  	s4 =	sld [smem:$0x3FB1]  }
0x2a: {  	p0 =	seq.s32 s5, $0x0;
	s5 =	sld [smem:$0x3FB2]  }
0x2b: {  	s6 =	sld [smem:$0x3FB3]  }
0x2c: {  	s7 =	sld [smem:$0x3FB4]  }
0x2d: {  	s3 =	simm.s32 $0x108;
	s8 =	sld [smem:$0x3FB5]  }
0x2e: {  	s3 =	simm.s32 @!p0 $0x1082;
	s9 =	sld [smem:$0x3FB6]  }
0x2f: {  	lr =	sadd.s32 s0, s3;
	s0 =	sld [smem:$0x3FAD]  }
0x30: {  	s3 =	sld [smem:$0x3FB0]  }
0x31: {  	[smem:$0x3FB9] =	sst s10  }
0x32: {  	s10 =	sld [smem:$0x3FB7];
	_ =	sdelay $0x3  }
0x33: {  	p0 =	seq.s32 s10, $0x1;
	s10 =	sld [smem:$0x3FB9];
	_ =	sdelay $0x3  }
0x34: {  	[smem:$0x3FB9] =	sst s10  }
0x35: {  	s10 =	sld [smem:$0x3FB8];
	_ =	sdelay $0x3  }
0x36: {  	p1 =	seq.s32 s10, $0x1;
	s10 =	sld [smem:$0x3FB9];
	_ =	sdelay $0x3  }
0x37: {  	[smem:$0x3FB9] =	sst s10  }
0x38: {  	s10 =	sld [smem:$0x3FBA]  }
0x39: {  	_ = 	snop;
	(pc) =	sbr.ind lr, $3  }
0x3a: {  	_ = 	snop  }
0x3b: {  	_ = 	snop  }
0x3c: {  	p2 =	seq.s32 s10, $0x1;
	s10 =	sld [smem:$0x3FB9]  }
0x3d: {  	_ =	shalt  }
0x3e: {  	_ =	shalt  }
0x3f: {  	_ =	shalt  }
0x40: {  	_ =	shalt  }
0x41: {  	_ =	shalt  }
0x42: {  	_ =	shalt  }
0x43: {  	_ =	shalt  }
0x44: {  	_ =	shalt  }
0x45: {  	_ =	shalt  }
0x46: {  	_ =	shalt  }
0x47: {  	_ =	shalt  }
0x48: {  	_ =	shalt  }
0x49: {  	_ =	shalt  }
0x4a: {  	_ =	shalt  }
0x4b: {  	_ =	shalt  }
0x4c: {  	_ =	shalt  }
0x4d: {  	_ =	shalt  }
0x4e: {  	_ =	shalt  }
0x4f: {  	_ =	shalt  }
0x50: {  	_ =	shalt  }
0x51: {  	_ =	shalt  }
0x52: {  	_ =	shalt  }
0x53: {  	_ =	shalt  }
0x54: {  	_ =	shalt  }
0x55: {  	_ =	shalt  }
0x56: {  	_ =	shalt  }
0x57: {  	_ =	shalt  }
0x58: {  	_ =	shalt  }
0x59: {  	_ =	shalt  }
0x5a: {  	_ =	shalt  }
0x5b: {  	_ =	shalt  }
0x5c: {  	_ =	shalt  }
0x5d: {  	_ =	shalt  }
0x5e: {  	_ =	shalt  }
0x5f: {  	_ =	shalt  }
0x60: {  	_ =	shalt  }
0x61: {  	_ =	shalt  }
0x62: {  	_ =	shalt  }
0x63: {  	_ =	shalt  }
0x64: {  	_ =	shalt  }
0x65: {  	_ =	shalt  }
0x66: {  	_ =	shalt  }
0x67: {  	_ =	shalt  }
0x68: {  	_ =	shalt  }
0x69: {  	_ =	shalt  }
0x6a: {  	_ =	shalt  }
0x6b: {  	_ =	shalt  }
0x6c: {  	_ =	shalt  }
0x6d: {  	_ =	shalt  }
0x6e: {  	_ =	shalt  }
0x6f: {  	_ =	shalt  }
0x70: {  	_ =	shalt  }
0x71: {  	_ =	shalt  }
0x72: {  	_ =	shalt  }
0x73: {  	_ =	shalt  }
0x74: {  	_ =	shalt  }
0x75: {  	_ =	shalt  }
0x76: {  	_ =	shalt  }
0x77: {  	_ =	shalt  }
0x78: {  	_ =	shalt  }
0x79: {  	_ =	shalt  }
0x7a: {  	_ =	shalt  }
0x7b: {  	_ =	shalt  }
0x7c: {  	_ =	shalt  }
0x7d: {  	_ =	shalt  }
0x7e: {  	_ =	shalt  }
0x7f: {  	_ =	shalt  }
0x80: {  	_ =	shalt  }
0x81: {  	_ =	shalt  }
0x82: {  	_ =	shalt  }
0x83: {  	_ =	shalt  }
0x84: {  	_ =	shalt  }
0x85: {  	_ =	shalt  }
0x86: {  	_ =	shalt  }
0x87: {  	_ =	shalt  }
.Lfunc_end0:
.L_simem_size_0:
called_computation_lowered:
.L_overlay_start_0:
0x88: {  	s2 =	sld [smem:$0x3FD9]  }
0x89: {  	s3 =	sld [smem:$0x3FFE];
	_ =	sdelay $0x1  }
0x8a: {  	s1 =	srdreg.scid  }
0x8b: {  	s0 =	sand.u32 $0x1, s1  }
0x8c: {  	s16 =	sshll.u32 s0, $0xA;
	s2 =	sadd.s32 s3, s2  }
0x8d: {  	s2 =	sadd.s32 s2, s16  }
0x8e: {  	[smem:$0x3FC5] =	sst s2  }
0x8f: {  	_ = 	snop  }
0x90: {  	(tm) =	ssettm $0x1  }
0x91: {  	s17 =	sld [smem:$0x3FFB];
	_ =	sdelay $0x3  }
0x92: {  	_ =	strace s17  }
0x93: {  	s2 =	sld [smem:$0x3FFC];
	_ =	sdelay $0x3  }
0x94: {  	_ =	strace s2  }
0x95: {  	s2 =	sld [smem:$0x3FFD];
	_ =	sdelay $0x3  }
0x96: {  	_ =	strace s2  }
0x97: {  	_ =	strace $0x8FFFFFFF  }
0x98: {  	s18 =	sld [smem:$0x3FDB];
	_ =	sdelay $0x1  }
0x99: {  	s19 =	simm.s32 $_scs_section_size  }
0x9a: {  	s4 =	simm.s32 $_size__tile_overlayer_lowered;
	s5 =	simm.s32 $_tile_overlayer_lowered  }
0x9b: {  	s22 =	simm.s32 $0x1BFF;
	s21 =	sshll.u32 s5, $0x1;
	s2 =	sadd.s32 s19, s18  }
0x9c: {  	s6 =	simm.s32 $0x0;
	s20 =	sshll.u32 s4, $0x1;
	s4 =	sadd.s32 s21, s2  }
0x9d: {  	[timem:s6], [sflag:s22] =	dma.local [hbm:s4], s20  }
0x9e: {  	_ =	swait.ge [sflag:s22], s20  }
0x9f: {  	s3 =	ssub.s32 $0x0, s20;
	[sflag:s22] =	ssyncset.done $0x0  }
0xa0: {  	[sflag:s22] =	ssyncadd.s32 s3;
	_ =	sdelay $0x1  }
0xa1: {  	s23 =	simm.s32 $0x1B8B  }
0xa2: {  	_ =	swait.ge [sflag:s23], $0x1  }
0xa3: {  	[sflag:s23] =	ssyncset.done $0x0  }
0xa4: {  	s25 =	simm.s32 $0x1B8E;
	s24 =	sld [smem:$0x3FFE];
	[sflag:s23] =	ssyncadd.s32 $0xFFFFFFFF  }
0xa5: {  	s26 =	simm.s32 $execute0_lowered;
	[smem:$0x3FD2] =	sst s25  }
0xa6: {  	s4 =	sshll.u32 s26, $0x1;
	_ =	strace $0x80000046;
	[dreg:$0x1] =	wrdreg $0xFFFFFFFF  }
0xa7: {  	s28 =	simm.s32 $_size_execute0_lowered;
	s2 =	sadd.s32 s2, s4;
	[dreg:$0x0] =	wrdreg $0x0  }
0xa8: {  	s4 =	sshll.u32 s28, $0x1;
	[dreg:$0x2] =	wrdreg s2  }
0xa9: {  	[dreg:$0x3] =	wrdreg s4  }
0xaa: {  	[dreg:$0x4] =	wrdreg $0xC0  }
0xab: {  	_ =	task [dreg:s6], $0x5FFFF  }
0xac: {  	[dreg:$0x1] =	wrdreg $0xFFFFFFFF  }
0xad: {  	[dreg:$0x0] =	wrdreg $0x60  }
0xae: {  	[dreg:$0x2] =	wrdreg s24  }
0xaf: {  	[dreg:$0x3] =	wrdreg $0x9  }
0xb0: {  	_ =	task.clear_ibuf [dreg:s6], $0x4FFFF;
	_ =	strace $0x90000046  }
0xb1: {  	s29 =	simm.s32 $0x9;
	_ =	strace $0x80000048  }
0xb2: {  	_ =	swait.ge [sflag:s29], $0x1  }
0xb3: {  	[sflag:s29] =	ssyncadd.s32 $0xFFFFFFFF  }
0xb4: {  	_ =	strace $0x90000048  }
0xb5: {  	_ =	sfence  }
0xb6: {  	s30 =	sld [smem:$0x0];
	_ =	sdelay $0x2  }
0xb7: {  	s31 =	sshll.u32 s1, $0xD;
	s1 =	sshrl.u32 s1, $0x2  }
0xb8: {  	s3 =	sand.u32 $0x4000, s31;
	s1 =	sadd.s32 s1, s30  }
0xb9: {  	s0 =	sor.u32 s3, s0;
	s1 =	sshll.u32 s1, $0x11  }
0xba: {  	s0 =	sor.u32 s1, s0  }
0xbb: {  	s0 =	sadd.s32 $0x8F2B, s0  }
0xbc: {  	[sflag:s0] =	ssyncadd.remote.s32 $0x1  }
0xbd: {  	_ =	sfence.sel $0xFFFF  }
0xbe: {  	[dreg:$0x0] =	wrdreg $0xFFFFFFFF;
	(pc) =	sbr.abs _section_cstart, $3  }
0xbf: {  	[dreg:$0x1] =	wrdreg $0xFFFFFFFF  }
0xc0: {  	_ =	task.clear_ibuf [dreg:s6], $0x2FFFF;
	_ =	strace $0x9FFFFFFF  }
0xc1: {  	(tm) =	ssettm $0x7FFFFFFF  }
tec
execute0_lowered:
.L_overlay_start_1:
0x0: {  	(tag) =	ssettag $0x1  }
0x1: {  	s4 =	rddreg [dreg:$0x0]  }
0x2: {  	s0 =	rddreg [dreg:$0x1];
	s2 =	simm.s32 $0x0  }
0x3: {  	s1 =	stileid.u32;
	s6 =	srdreg.scid;
	s10 =	simm.s32 $0x500  }
0x4: {  	s11 =	simm.s32 $0x600;
	s12 =	simm.s32 $0x700;
	s13 =	simm.s32 $0x1  }
0x5: {  	s16 =	simm.s32 $0x2100;
	s14 =	simm.s32 $0xC8;
	s15 =	simm.s32 $0x800  }
0x6: {  	s17 =	simm.s32 $0x5300;
	s18 =	simm.s32 $0x6C00;
	s19 =	simm.s32 $0x8500  }
0x7: {  	s20 =	simm.s32 $0x9E00;
	s21 =	simm.s32 $0xB700;
	s22 =	simm.s32 $0x2  }
0x8: {  	s23 =	simm.s32 $0x3;
	s24 =	simm.s32 $0x0;
	[smem:$0x7FF] =	sst s2  }
0x9: {  	s3 =	sshll.u32 s1, $0xD;
	s7 =	smul.u32 $0x32000, s1;
	s6 =	sand.u32 $0x1, s6  }
0xa: {  	_ =	strace $0x80000047;
	s5 =	sadd.s32 s3, s4;
	s3 =	sadd.s32 $0xF82E00, s4  }
0xb: {  	s8 =	ssub.s32 $0x2, s6;
	s9 =	sshll.u32 s6, $0xC;
	s6 =	smul.u32 $0x19000, s6  }
0xc: {  	[dreg:$0x3] =	wrdreg s16;
	s16 =	simm.s32 $0x3A00;
	s4 =	sadd.s32 s7, s4  }
0xd: {  	s31 =	sshrl.u32 s8, $0x1;
	s5 =	sadd.s32 s9, s5;
	s9 =	simm.s32 $0x400  }
0xe: {  	s7 =	ssub.s32 s8, s31;
	s5 =	sadd.s32 $0x20A00, s5;
	s6 =	sadd.s32 s6, s4  }
0xf: {  	s8 =	simm.s32 $0x300;
	s4 =	smax.u32 s7, $0x1;
	[dreg:$0x2] =	wrdreg s5  }
0x10: {  	s5 =	sadd.s32 $0x40A00, s6;
	s6 =	simm.s32 $0x100;
	s7 =	simm.s32 $0x200  }
.LBB2_1:
0x11: {  	s25 =	rddreg [dreg:$0x2]  }
0x12: {  	s25 =	sadd.s32 $0x0, s25  }
0x13: {  	[tilespmem:s2], [sflag:$0x1] =	stream.linear.gather [hbm4b:s25+s2], $0x100, $0x38;
	[tilespmem:$0xD000] =	vst v63  }
0x14: {  	s26 =	sadd.s32 $0x20, s25  }
0x15: {  	[tilespmem:s6], [sflag:$0x1] =	stream.linear.gather [hbm4b:s26+s2], $0x100, $0x38;
	[tilespmem:$0xD000] =	vst v63  }
0x16: {  	s30 =	sadd.s32 $0x40, s25  }
0x17: {  	[tilespmem:s7], [sflag:$0x1] =	stream.linear.gather [hbm4b:s30+s2], $0x100, $0x38;
	[tilespmem:$0xD000] =	vst v63  }
0x18: {  	s31 =	sadd.s32 $0x60, s25  }
0x19: {  	[tilespmem:s8], [sflag:$0x1] =	stream.linear.gather [hbm4b:s31+s2], $0x100, $0x38;
	[tilespmem:$0xD000] =	vst v63  }
0x1a: {  	s30 =	sadd.s32 $0x80, s25  }
0x1b: {  	[tilespmem:s9], [sflag:$0x1] =	stream.linear.gather [hbm4b:s30+s2], $0x100, $0x38;
	[tilespmem:$0xD000] =	vst v63  }
0x1c: {  	s31 =	sadd.s32 $0xA0, s25  }
0x1d: {  	[tilespmem:s10], [sflag:$0x1] =	stream.linear.gather [hbm4b:s31+s2], $0x100, $0x38;
	[tilespmem:$0xD000] =	vst v63  }
0x1e: {  	s30 =	sadd.s32 $0xC0, s25  }
0x1f: {  	[tilespmem:s11], [sflag:$0x1] =	stream.linear.gather [hbm4b:s30+s2], $0x100, $0x38;
	[tilespmem:$0xD000] =	vst v63  }
0x20: {  	s25 =	sadd.s32 $0xE0, s25  }
0x21: {  	[tilespmem:s12], [sflag:$0x1] =	stream.linear.gather [hbm4b:s25+s2], $0x100, $0x38;
	[tilespmem:$0xD000] =	vst v63  }
0x22: {  	_ =	swait.ge [sflag:s13], $0x100  }
0x23: {  	[sflag:s13] =	ssyncset.done $0x0  }
0x24: {  	[sflag:s13] =	ssyncadd.s32 $0xFFFFFF00  }
0x25: {  	_ =	swait.ge [sflag:s13], $0x100  }
0x26: {  	[sflag:s13] =	ssyncset.done $0x0  }
0x27: {  	[sflag:s13] =	ssyncadd.s32 $0xFFFFFF00  }
0x28: {  	_ =	swait.ge [sflag:s13], $0x100  }
0x29: {  	[sflag:s13] =	ssyncset.done $0x0  }
0x2a: {  	[sflag:s13] =	ssyncadd.s32 $0xFFFFFF00  }
0x2b: {  	_ =	swait.ge [sflag:s13], $0x100  }
0x2c: {  	[sflag:s13] =	ssyncset.done $0x0  }
0x2d: {  	[sflag:s13] =	ssyncadd.s32 $0xFFFFFF00  }
0x2e: {  	_ =	swait.ge [sflag:s13], $0x100  }
0x2f: {  	[sflag:s13] =	ssyncset.done $0x0  }
0x30: {  	[sflag:s13] =	ssyncadd.s32 $0xFFFFFF00  }
0x31: {  	_ =	swait.ge [sflag:s13], $0x100  }
0x32: {  	[sflag:s13] =	ssyncset.done $0x0  }
0x33: {  	[sflag:s13] =	ssyncadd.s32 $0xFFFFFF00  }
0x34: {  	_ =	swait.ge [sflag:s13], $0x100  }
0x35: {  	[sflag:s13] =	ssyncset.done $0x0  }
0x36: {  	[sflag:s13] =	ssyncadd.s32 $0xFFFFFF00  }
0x37: {  	_ =	swait.ge [sflag:s13], $0x100  }
0x38: {  	[sflag:s13] =	ssyncset.done $0x0  }
0x39: {  	[sflag:s13] =	ssyncadd.s32 $0xFFFFFF00  }
0x3a: {  	[tilespmem:s15], [sflag:$0x2] =	stream.indirect.gather [hbm4b:s3+s14], $0x20, s2, s14, $0xb8;
	[tilespmem:$0xD000] =	vst v63  }
0x3b: {  	s31 =	rddreg [dreg:$0x3]  }
0x3c: {  	[tilespmem:s31], [sflag:$0x2] =	stream.indirect.gather [hbm4b:s3+s14], $0x20, s6, s14, $0xb8;
	[tilespmem:$0xD000] =	vst v63  }
0x3d: {  	_ = 	snop  }
0x3e: {  	[tilespmem:s16], [sflag:$0x2] =	stream.indirect.gather [hbm4b:s3+s14], $0x20, s7, s14, $0xb8;
	[tilespmem:$0xD000] =	vst v63  }
0x3f: {  	_ = 	snop  }
0x40: {  	[tilespmem:s17], [sflag:$0x2] =	stream.indirect.gather [hbm4b:s3+s14], $0x20, s8, s14, $0xb8;
	[tilespmem:$0xD000] =	vst v63  }
0x41: {  	_ = 	snop  }
0x42: {  	[tilespmem:s18], [sflag:$0x2] =	stream.indirect.gather [hbm4b:s3+s14], $0x20, s9, s14, $0xb8;
	[tilespmem:$0xD000] =	vst v63  }
0x43: {  	_ = 	snop  }
0x44: {  	[tilespmem:s19], [sflag:$0x2] =	stream.indirect.gather [hbm4b:s3+s14], $0x20, s10, s14, $0xb8;
	[tilespmem:$0xD000] =	vst v63  }
0x45: {  	_ = 	snop  }
0x46: {  	[tilespmem:s20], [sflag:$0x2] =	stream.indirect.gather [hbm4b:s3+s14], $0x20, s11, s14, $0xb8;
	[tilespmem:$0xD000] =	vst v63  }
0x47: {  	_ = 	snop  }
0x48: {  	[tilespmem:s21], [sflag:$0x2] =	stream.indirect.gather [hbm4b:s3+s14], $0x20, s12, s14, $0xb8;
	[tilespmem:$0xD000] =	vst v63  }
0x49: {  	_ =	swait.ge [sflag:s22], $0x1900  }
0x4a: {  	[sflag:s22] =	ssyncset.done $0x0  }
0x4b: {  	[sflag:s22] =	ssyncadd.s32 $0xFFFFE700  }
0x4c: {  	_ =	swait.ge [sflag:s22], $0x1900  }
0x4d: {  	[sflag:s22] =	ssyncset.done $0x0  }
0x4e: {  	[sflag:s22] =	ssyncadd.s32 $0xFFFFE700  }
0x4f: {  	_ =	swait.ge [sflag:s22], $0x1900  }
0x50: {  	[sflag:s22] =	ssyncset.done $0x0  }
0x51: {  	[sflag:s22] =	ssyncadd.s32 $0xFFFFE700  }
0x52: {  	_ =	swait.ge [sflag:s22], $0x1900  }
0x53: {  	[sflag:s22] =	ssyncset.done $0x0  }
0x54: {  	[sflag:s22] =	ssyncadd.s32 $0xFFFFE700  }
0x55: {  	_ =	swait.ge [sflag:s22], $0x1900  }
0x56: {  	[sflag:s22] =	ssyncset.done $0x0  }
0x57: {  	[sflag:s22] =	ssyncadd.s32 $0xFFFFE700  }
0x58: {  	_ =	swait.ge [sflag:s22], $0x1900  }
0x59: {  	[sflag:s22] =	ssyncset.done $0x0  }
0x5a: {  	[sflag:s22] =	ssyncadd.s32 $0xFFFFE700  }
0x5b: {  	_ =	swait.ge [sflag:s22], $0x1900  }
0x5c: {  	[sflag:s22] =	ssyncset.done $0x0  }
0x5d: {  	[sflag:s22] =	ssyncadd.s32 $0xFFFFE700  }
0x5e: {  	_ =	swait.ge [sflag:s22], $0x1900  }
0x5f: {  	[sflag:s22] =	ssyncset.done $0x0  }
0x60: {  	[sflag:s22] =	ssyncadd.s32 $0xFFFFE700  }
0x61: {  	[hbm4b:s5+s2] =	stream.linear.scatter [tilespmem:s15], [sflag:$0x3], $0xC800, $0x38;
	[tilespmem:$0xD000] =	vst v63  }
0x62: {  	s28 =	simm.s32 $0x200;
	s26 =	simm.s32 $0x100;
	_ =	swait.ge [sflag:s23], $0xC800  }
0x63: {  	s25 =	smov.u32 s5;
	s29 =	rddreg [dreg:$0x2];
	[sflag:s23] =	ssyncset.done $0x0  }
.LBB2_2:
0x64: {  	[sflag:s23] =	ssyncadd.s32 $0xFFFF3800;
	s29 =	sadd.s32 s26, s29  }
0x65: {  	[tilespmem:s2], [sflag:$0x1] =	stream.linear.gather [hbm4b:s29+s2], $0x100, $0x38;
	[tilespmem:$0xD000] =	vst v63  }
0x66: {  	s31 =	sadd.s32 $0x20, s29  }
0x67: {  	[tilespmem:s6], [sflag:$0x1] =	stream.linear.gather [hbm4b:s31+s2], $0x100, $0x38;
	[tilespmem:$0xD000] =	vst v63  }
0x68: {  	s31 =	sadd.s32 $0x40, s29  }
0x69: {  	[tilespmem:s7], [sflag:$0x1] =	stream.linear.gather [hbm4b:s31+s2], $0x100, $0x38;
	[tilespmem:$0xD000] =	vst v63  }
0x6a: {  	s31 =	sadd.s32 $0x60, s29  }
0x6b: {  	[tilespmem:s8], [sflag:$0x1] =	stream.linear.gather [hbm4b:s31+s2], $0x100, $0x38;
	[tilespmem:$0xD000] =	vst v63  }
0x6c: {  	s31 =	sadd.s32 $0x80, s29  }
0x6d: {  	[tilespmem:s9], [sflag:$0x1] =	stream.linear.gather [hbm4b:s31+s2], $0x100, $0x38;
	[tilespmem:$0xD000] =	vst v63  }
0x6e: {  	s31 =	sadd.s32 $0xA0, s29  }
0x6f: {  	[tilespmem:s10], [sflag:$0x1] =	stream.linear.gather [hbm4b:s31+s2], $0x100, $0x38;
	[tilespmem:$0xD000] =	vst v63  }
0x70: {  	s31 =	sadd.s32 $0xC0, s29  }
0x71: {  	[tilespmem:s11], [sflag:$0x1] =	stream.linear.gather [hbm4b:s31+s2], $0x100, $0x38;
	[tilespmem:$0xD000] =	vst v63  }
0x72: {  	s29 =	sadd.s32 $0xE0, s29  }
0x73: {  	[tilespmem:s12], [sflag:$0x1] =	stream.linear.gather [hbm4b:s29+s2], $0x100, $0x38;
	[tilespmem:$0xD000] =	vst v63  }
0x74: {  	_ =	swait.ge [sflag:s13], $0x100  }
0x75: {  	[sflag:s13] =	ssyncset.done $0x0  }
0x76: {  	[sflag:s13] =	ssyncadd.s32 $0xFFFFFF00  }
0x77: {  	_ =	swait.ge [sflag:s13], $0x100  }
0x78: {  	[sflag:s13] =	ssyncset.done $0x0  }
0x79: {  	[sflag:s13] =	ssyncadd.s32 $0xFFFFFF00  }
0x7a: {  	_ =	swait.ge [sflag:s13], $0x100  }
0x7b: {  	[sflag:s13] =	ssyncset.done $0x0  }
0x7c: {  	[sflag:s13] =	ssyncadd.s32 $0xFFFFFF00  }
0x7d: {  	_ =	swait.ge [sflag:s13], $0x100  }
0x7e: {  	[sflag:s13] =	ssyncset.done $0x0  }
0x7f: {  	[sflag:s13] =	ssyncadd.s32 $0xFFFFFF00  }
0x80: {  	_ =	swait.ge [sflag:s13], $0x100  }
0x81: {  	[sflag:s13] =	ssyncset.done $0x0  }
0x82: {  	[sflag:s13] =	ssyncadd.s32 $0xFFFFFF00  }
0x83: {  	_ =	swait.ge [sflag:s13], $0x100  }
0x84: {  	[sflag:s13] =	ssyncset.done $0x0  }
0x85: {  	[sflag:s13] =	ssyncadd.s32 $0xFFFFFF00  }
0x86: {  	_ =	swait.ge [sflag:s13], $0x100  }
0x87: {  	[sflag:s13] =	ssyncset.done $0x0  }
0x88: {  	[sflag:s13] =	ssyncadd.s32 $0xFFFFFF00  }
0x89: {  	_ =	swait.ge [sflag:s13], $0x100  }
0x8a: {  	[sflag:s13] =	ssyncset.done $0x0  }
0x8b: {  	[sflag:s13] =	ssyncadd.s32 $0xFFFFFF00  }
0x8c: {  	[tilespmem:s15], [sflag:$0x2] =	stream.indirect.gather [hbm4b:s3+s14], $0x20, s2, s14, $0xb8;
	[tilespmem:$0xD000] =	vst v63  }
0x8d: {  	s29 =	rddreg [dreg:$0x3]  }
0x8e: {  	[tilespmem:s29], [sflag:$0x2] =	stream.indirect.gather [hbm4b:s3+s14], $0x20, s6, s14, $0xb8;
	[tilespmem:$0xD000] =	vst v63  }
0x8f: {  	_ = 	snop  }
0x90: {  	[tilespmem:s16], [sflag:$0x2] =	stream.indirect.gather [hbm4b:s3+s14], $0x20, s7, s14, $0xb8;
	[tilespmem:$0xD000] =	vst v63  }
0x91: {  	_ = 	snop  }
0x92: {  	[tilespmem:s17], [sflag:$0x2] =	stream.indirect.gather [hbm4b:s3+s14], $0x20, s8, s14, $0xb8;
	[tilespmem:$0xD000] =	vst v63  }
0x93: {  	_ = 	snop  }
0x94: {  	[tilespmem:s18], [sflag:$0x2] =	stream.indirect.gather [hbm4b:s3+s14], $0x20, s9, s14, $0xb8;
	[tilespmem:$0xD000] =	vst v63  }
0x95: {  	_ = 	snop  }
0x96: {  	[tilespmem:s19], [sflag:$0x2] =	stream.indirect.gather [hbm4b:s3+s14], $0x20, s10, s14, $0xb8;
	[tilespmem:$0xD000] =	vst v63  }
0x97: {  	_ = 	snop  }
0x98: {  	[tilespmem:s20], [sflag:$0x2] =	stream.indirect.gather [hbm4b:s3+s14], $0x20, s11, s14, $0xb8;
	[tilespmem:$0xD000] =	vst v63  }
0x99: {  	_ = 	snop  }
0x9a: {  	[tilespmem:s21], [sflag:$0x2] =	stream.indirect.gather [hbm4b:s3+s14], $0x20, s12, s14, $0xb8;
	[tilespmem:$0xD000] =	vst v63  }
0x9b: {  	_ =	swait.ge [sflag:s22], $0x1900  }
0x9c: {  	[sflag:s22] =	ssyncset.done $0x0  }
0x9d: {  	[sflag:s22] =	ssyncadd.s32 $0xFFFFE700  }
0x9e: {  	_ =	swait.ge [sflag:s22], $0x1900  }
0x9f: {  	[sflag:s22] =	ssyncset.done $0x0  }
0xa0: {  	[sflag:s22] =	ssyncadd.s32 $0xFFFFE700  }
0xa1: {  	_ =	swait.ge [sflag:s22], $0x1900  }
0xa2: {  	[sflag:s22] =	ssyncset.done $0x0  }
0xa3: {  	[sflag:s22] =	ssyncadd.s32 $0xFFFFE700  }
0xa4: {  	_ =	swait.ge [sflag:s22], $0x1900  }
0xa5: {  	[sflag:s22] =	ssyncset.done $0x0  }
0xa6: {  	[sflag:s22] =	ssyncadd.s32 $0xFFFFE700  }
0xa7: {  	_ =	swait.ge [sflag:s22], $0x1900  }
0xa8: {  	[sflag:s22] =	ssyncset.done $0x0  }
0xa9: {  	[sflag:s22] =	ssyncadd.s32 $0xFFFFE700  }
0xaa: {  	_ =	swait.ge [sflag:s22], $0x1900  }
0xab: {  	[sflag:s22] =	ssyncset.done $0x0  }
0xac: {  	[sflag:s22] =	ssyncadd.s32 $0xFFFFE700  }
0xad: {  	_ =	swait.ge [sflag:s22], $0x1900  }
0xae: {  	[sflag:s22] =	ssyncset.done $0x0  }
0xaf: {  	[sflag:s22] =	ssyncadd.s32 $0xFFFFE700  }
0xb0: {  	p0 =	sne.s32 s28, $0xF00;
	_ =	swait.ge [sflag:s22], $0x1900  }
.Ltmp0:
0xb1: {  	[sflag:s22] =	ssyncset.done $0x0;
	(pc) =	sbr.rel @p0 .LBB2_2-.Ltmp0, $4  }
0xb2: {  	s25 =	sadd.s32 $0x1900, s25;
	[sflag:s22] =	ssyncadd.s32 $0xFFFFE700  }
0xb3: {  	[hbm4b:s25+s2] =	stream.linear.scatter [tilespmem:s15], [sflag:$0x3], $0xC800, $0x38;
	[tilespmem:$0xD000] =	vst v63  }
0xb4: {  	s30 =	smov.u32 s28;
	s28 =	sadd.s32 $0x100, s28;
	_ =	swait.ge [sflag:s23], $0xC800  }
0xb5: {  	s26 =	smov.u32 s30;
	s29 =	rddreg [dreg:$0x2];
	[sflag:s23] =	ssyncset.done $0x0  }
0xb6: {  	[sflag:s23] =	ssyncadd.s32 $0xFFFF3800;
	s26 =	sadd.s32 s26, s29  }
0xb7: {  	[tilespmem:s2], [sflag:$0x1] =	stream.linear.gather [hbm4b:s26+s2], $0x100, $0x38;
	[tilespmem:$0xD000] =	vst v63  }
0xb8: {  	s28 =	sadd.s32 $0x20, s26  }
0xb9: {  	[tilespmem:s6], [sflag:$0x1] =	stream.linear.gather [hbm4b:s28+s2], $0x100, $0x38;
	[tilespmem:$0xD000] =	vst v63  }
0xba: {  	s29 =	sadd.s32 $0x40, s26  }
0xbb: {  	[tilespmem:s7], [sflag:$0x1] =	stream.linear.gather [hbm4b:s29+s2], $0x100, $0x38;
	[tilespmem:$0xD000] =	vst v63  }
0xbc: {  	s30 =	sadd.s32 $0x60, s26  }
0xbd: {  	[tilespmem:s8], [sflag:$0x1] =	stream.linear.gather [hbm4b:s30+s2], $0x100, $0x38;
	[tilespmem:$0xD000] =	vst v63  }
0xbe: {  	s31 =	sadd.s32 $0x80, s26  }
0xbf: {  	[tilespmem:s9], [sflag:$0x1] =	stream.linear.gather [hbm4b:s31+s2], $0x100, $0x38;
	[tilespmem:$0xD000] =	vst v63  }
0xc0: {  	s29 =	sadd.s32 $0xA0, s26  }
0xc1: {  	[tilespmem:s10], [sflag:$0x1] =	stream.linear.gather [hbm4b:s29+s2], $0x100, $0x38;
	[tilespmem:$0xD000] =	vst v63  }
0xc2: {  	s30 =	sadd.s32 $0xC0, s26  }
0xc3: {  	[tilespmem:s11], [sflag:$0x1] =	stream.linear.gather [hbm4b:s30+s2], $0x100, $0x38;
	[tilespmem:$0xD000] =	vst v63  }
0xc4: {  	s26 =	sadd.s32 $0xE0, s26  }
0xc5: {  	[tilespmem:s12], [sflag:$0x1] =	stream.linear.gather [hbm4b:s26+s2], $0x100, $0x38;
	[tilespmem:$0xD000] =	vst v63  }
0xc6: {  	_ =	swait.ge [sflag:s13], $0x100  }
0xc7: {  	[sflag:s13] =	ssyncset.done $0x0  }
0xc8: {  	[sflag:s13] =	ssyncadd.s32 $0xFFFFFF00  }
0xc9: {  	_ =	swait.ge [sflag:s13], $0x100  }
0xca: {  	[sflag:s13] =	ssyncset.done $0x0  }
0xcb: {  	[sflag:s13] =	ssyncadd.s32 $0xFFFFFF00  }
0xcc: {  	_ =	swait.ge [sflag:s13], $0x100  }
0xcd: {  	[sflag:s13] =	ssyncset.done $0x0  }
0xce: {  	[sflag:s13] =	ssyncadd.s32 $0xFFFFFF00  }
0xcf: {  	_ =	swait.ge [sflag:s13], $0x100  }
0xd0: {  	[sflag:s13] =	ssyncset.done $0x0  }
0xd1: {  	[sflag:s13] =	ssyncadd.s32 $0xFFFFFF00  }
0xd2: {  	_ =	swait.ge [sflag:s13], $0x100  }
0xd3: {  	[sflag:s13] =	ssyncset.done $0x0  }
0xd4: {  	[sflag:s13] =	ssyncadd.s32 $0xFFFFFF00  }
0xd5: {  	_ =	swait.ge [sflag:s13], $0x100  }
0xd6: {  	[sflag:s13] =	ssyncset.done $0x0  }
0xd7: {  	[sflag:s13] =	ssyncadd.s32 $0xFFFFFF00  }
0xd8: {  	_ =	swait.ge [sflag:s13], $0x100  }
0xd9: {  	[sflag:s13] =	ssyncset.done $0x0  }
0xda: {  	[sflag:s13] =	ssyncadd.s32 $0xFFFFFF00  }
0xdb: {  	_ =	swait.ge [sflag:s13], $0x100  }
0xdc: {  	[sflag:s13] =	ssyncset.done $0x0  }
0xdd: {  	[sflag:s13] =	ssyncadd.s32 $0xFFFFFF00  }
0xde: {  	[tilespmem:s15], [sflag:$0x2] =	stream.indirect.gather [hbm4b:s3+s14], $0x20, s2, s14, $0xb8;
	[tilespmem:$0xD000] =	vst v63  }
0xdf: {  	s31 =	rddreg [dreg:$0x3]  }
0xe0: {  	[tilespmem:s31], [sflag:$0x2] =	stream.indirect.gather [hbm4b:s3+s14], $0x20, s6, s14, $0xb8;
	[tilespmem:$0xD000] =	vst v63  }
0xe1: {  	_ = 	snop  }
0xe2: {  	[tilespmem:s16], [sflag:$0x2] =	stream.indirect.gather [hbm4b:s3+s14], $0x20, s7, s14, $0xb8;
	[tilespmem:$0xD000] =	vst v63  }
0xe3: {  	_ = 	snop  }
0xe4: {  	[tilespmem:s17], [sflag:$0x2] =	stream.indirect.gather [hbm4b:s3+s14], $0x20, s8, s14, $0xb8;
	[tilespmem:$0xD000] =	vst v63  }
0xe5: {  	_ = 	snop  }
0xe6: {  	[tilespmem:s18], [sflag:$0x2] =	stream.indirect.gather [hbm4b:s3+s14], $0x20, s9, s14, $0xb8;
	[tilespmem:$0xD000] =	vst v63  }
0xe7: {  	_ = 	snop  }
0xe8: {  	[tilespmem:s19], [sflag:$0x2] =	stream.indirect.gather [hbm4b:s3+s14], $0x20, s10, s14, $0xb8;
	[tilespmem:$0xD000] =	vst v63  }
0xe9: {  	_ = 	snop  }
0xea: {  	[tilespmem:s20], [sflag:$0x2] =	stream.indirect.gather [hbm4b:s3+s14], $0x20, s11, s14, $0xb8;
	[tilespmem:$0xD000] =	vst v63  }
0xeb: {  	_ = 	snop  }
0xec: {  	[tilespmem:s21], [sflag:$0x2] =	stream.indirect.gather [hbm4b:s3+s14], $0x20, s12, s14, $0xb8;
	[tilespmem:$0xD000] =	vst v63  }
0xed: {  	_ =	swait.ge [sflag:s22], $0x1900  }
0xee: {  	[sflag:s22] =	ssyncset.done $0x0  }
0xef: {  	[sflag:s22] =	ssyncadd.s32 $0xFFFFE700  }
0xf0: {  	_ =	swait.ge [sflag:s22], $0x1900  }
0xf1: {  	[sflag:s22] =	ssyncset.done $0x0  }
0xf2: {  	[sflag:s22] =	ssyncadd.s32 $0xFFFFE700  }
0xf3: {  	_ =	swait.ge [sflag:s22], $0x1900  }
0xf4: {  	[sflag:s22] =	ssyncset.done $0x0  }
0xf5: {  	[sflag:s22] =	ssyncadd.s32 $0xFFFFE700  }
0xf6: {  	_ =	swait.ge [sflag:s22], $0x1900  }
0xf7: {  	[sflag:s22] =	ssyncset.done $0x0  }
0xf8: {  	[sflag:s22] =	ssyncadd.s32 $0xFFFFE700  }
0xf9: {  	_ =	swait.ge [sflag:s22], $0x1900  }
0xfa: {  	[sflag:s22] =	ssyncset.done $0x0  }
0xfb: {  	[sflag:s22] =	ssyncadd.s32 $0xFFFFE700  }
0xfc: {  	_ =	swait.ge [sflag:s22], $0x1900  }
0xfd: {  	[sflag:s22] =	ssyncset.done $0x0  }
0xfe: {  	[sflag:s22] =	ssyncadd.s32 $0xFFFFE700  }
0xff: {  	_ =	swait.ge [sflag:s22], $0x1900  }
0x100: {  	[sflag:s22] =	ssyncset.done $0x0  }
0x101: {  	[sflag:s22] =	ssyncadd.s32 $0xFFFFE700  }
0x102: {  	s24 =	sadd.s32 $0x1, s24;
	_ =	swait.ge [sflag:s22], $0x1900  }
0x103: {  	p0 =	sne.s32 s24, s4;
	[sflag:s22] =	ssyncset.done $0x0  }
.Ltmp1:
0x104: {  	s25 =	sadd.s32 $0x1900, s25;
	[sflag:s22] =	ssyncadd.s32 $0xFFFFE700;
	(pc) =	sbr.rel @p0 .LBB2_1-.Ltmp1, $4  }
0x105: {  	[hbm4b:s25+s2] =	stream.linear.scatter [tilespmem:s15], [sflag:$0x3], $0xC800, $0x38;
	[tilespmem:$0xD000] =	vst v63  }
0x106: {  	_ =	swait.ge [sflag:s23], $0xC800  }
0x107: {  	[sflag:s23] =	ssyncset.done $0x0  }
0x108: {  	[sflag:s23] =	ssyncadd.s32 $0xFFFF3800  }
0x109: {  	_ =	sfence.sel $0x180000  }
0x10a: {  	[bflag:$0x0] =	sbarrier.arrive $0xFFFF  }
0x10b: {  	p0 =	sne.s32 s1, $0x0;
	_ =	strace $0x90000047  }
0x10c: {  	s0 =	sadd.s32 @!p0 $0x100000, s0;
	[bflag:$0x2] =	sbarrier.arrive $0xFFFF  }
0x10d: {  	[sflag:s0] =	ssyncadd.tile.s32 @!p0 $0x1;
	_ =	shalt  }
.Lfunc_end2:
_tile_overlayer_lowered:
.L_overlay_start_2:
0x10e: {  	(tag) =	ssettag $0x2  }
0x10f: {  	s0 =	rddreg [dreg:$0x0];
	s2 =	stileid.u32  }
0x110: {  	s1 =	rddreg [dreg:$0x1];
	p0 =	sne.s32 s2, $0x0  }
0x111: {  	s3 =	rddreg [dreg:$0x2];
	[bflag:$0x3] =	sbarrier.arrive $0xFFFF;
	s2 =	simm.s32 @!p0 $0x1C03  }
0x112: {  	[timem:s3], [sflag:s2] =	dma.local @!p0 [hbm:s0], s1  }
0x113: {  	s0 =	simm.s32 @!p0 $0x3  }
0x114: {  	_ =	swait.ge @!p0 [sflag:s0], s1  }
0x115: {  	s1 =	ssub.s32 @!p0 $0x0, s1;
	[sflag:s0] =	ssyncset.done @!p0 $0x0  }
0x116: {  	[sflag:s0] =	ssyncadd.s32 @!p0 s1  }
0x117: {  	[bflag:$0x3] =	sbarrier.arrive $0xFFFF  }
0x118: {  	_ =	shalt  }

</sc_bundles>
